<compile_context>
chip_gen: v7x
topology: tpu7x:2x2x1
jax: 0.10.2.dev20260603
libtpu: 0.0.44.dev20260713+nightly
codegen_flags: <defaults>
</compile_context>

<pallas_src>
import functools

import jax
import jax.numpy as jnp
import numpy as np
from jax import lax
from jax.experimental import pallas as pl
from jax.experimental.pallas import tpu as pltpu
from jax.experimental.pallas import tpu_sc as plsc

SIZE = 384
PATCH = 16
NUM = SIZE // PATCH
C = 32
D = 768
P = NUM * NUM
NAUG = 8

_info = plsc.get_sparse_core_info()
NC, NS = _info.num_cores, _info.num_subcores
NW = NC * NS
assert NW == C, f"kernel assumes one vector subcore per channel, got {NW}"

TOTAL_ROWS = NAUG * C * P
K = 72
NCHUNK = P // K


def _build_tables():
    grid = np.arange(P, dtype=np.int32).reshape(NUM, NUM)
    srt_list = []
    for k in range(4):
        rg = np.rot90(grid, k=k, axes=(0, 1))
        srt_list.append(np.argsort(rg.flatten()))
        srt_list.append(np.argsort(np.flip(rg, axis=1).flatten()))
    srt = np.stack(srt_list).astype(np.int32)
    a_base = (np.arange(NAUG, dtype=np.int32) * (C * P))[None, None, :, None]
    c_base = (np.arange(C, dtype=np.int32) * P)[:, None, None, None]
    pos = srt.reshape(NAUG, NCHUNK, K).transpose(1, 0, 2)[None]
    out_idx = a_base + c_base + pos
    return out_idx.reshape(C, NCHUNK * NAUG, K).astype(np.int32), srt


_OUT_IDX_NP, _ARGSORT_NP = _build_tables()


@functools.partial(
    pl.kernel,
    mesh=plsc.VectorSubcoreMesh(core_axis_name="c", subcore_axis_name="s"),
    out_type=jax.ShapeDtypeStruct((TOTAL_ROWS, D), jnp.float32),
    scratch_types=[
        pltpu.VMEM((NCHUNK * NAUG, K), jnp.int32),
        pltpu.VMEM((K, D), jnp.float32),
        pltpu.VMEM((K, D), jnp.float32),
        pltpu.SemaphoreType.DMA,
        pltpu.SemaphoreType.DMA,
        pltpu.SemaphoreType.DMA,
        pltpu.SemaphoreType.DMA,
    ],
)
def _scatter_augs(pf_hbm, idx_hbm, out_hbm, idx_v, buf0, buf1, rs0, rs1,
                  ss0, ss1):
    wid = lax.axis_index("s") * NC + lax.axis_index("c")
    pltpu.sync_copy(idx_hbm.at[wid], idx_v)
    src0 = pl.multiple_of(wid * P, P)

    def read(t, buf, sem):
        pltpu.async_copy(pf_hbm.at[pl.ds(src0 + t * K, K)], buf, sem)

    def scatter_all(t, buf, sem):
        for a in range(NAUG):
            pltpu.async_copy(buf, out_hbm.at[idx_v.at[t * NAUG + a]], sem)

    def drain_all(t, buf, sem):
        for a in range(NAUG):
            pltpu.make_async_copy(buf, out_hbm.at[idx_v.at[t * NAUG + a]],
                                  sem).wait()

    read(0, buf0, rs0)
    read(1, buf1, rs1)

    def body(g, carry):
        t0 = 2 * g
        t1 = t0 + 1
        pltpu.make_async_copy(pf_hbm.at[pl.ds(src0 + t0 * K, K)], buf0,
                              rs0).wait()
        scatter_all(t0, buf0, ss0)
        pltpu.make_async_copy(pf_hbm.at[pl.ds(src0 + t1 * K, K)], buf1,
                              rs1).wait()
        scatter_all(t1, buf1, ss1)
        drain_all(t0, buf0, ss0)

        @pl.when(t0 + 2 < NCHUNK)
        def _():
            read(t0 + 2, buf0, rs0)

        drain_all(t1, buf1, ss1)

        @pl.when(t1 + 2 < NCHUNK)
        def _():
            read(t1 + 2, buf1, rs1)

        return carry

    lax.fori_loop(0, NCHUNK // 2, body, 0)


def kernel(patch):
    pf = patch.reshape(C * P, D)
    idx = jnp.asarray(_OUT_IDX_NP)
    out_flat = _scatter_augs(pf, idx)
    aug = out_flat.reshape(NAUG, C, P, D)
    argsort = jnp.asarray(_ARGSORT_NP)
    perm = jnp.arange(NAUG, dtype=jnp.int32)
    return aug, argsort, perm

# --- scband reference (transcript-rebuilt; emitter-appended) ---
"""Pipeline reference for scband-patch-augmentations-5222680232122 (READ-ONLY COPY).

The authoritative reference and input builder live on the scoring server;
editing this copy changes nothing except your own understanding.
"""

import jax, jax.numpy as jnp
import numpy as np

SIZE = 384
PATCH = 16
NUM = SIZE // PATCH  # 24
C = 32
D = 768


def setup_inputs(seed: int = 0) -> dict:
    key = jax.random.key(seed)
    patch = jax.random.normal(key, (C, NUM * NUM, D), dtype=jnp.float32)
    return {"patch": patch}


def reference(patch):
    # grid buffer derived from init kwargs (size=384, patch_size=16)
    grid = jnp.arange(NUM * NUM, dtype=jnp.int32).reshape(NUM, NUM)
    aug_list = []
    argsort_list = []
    for k in range(4):
        rotated_grid = jnp.rot90(grid, k=k, axes=(0, 1))
        flat_idx = rotated_grid.flatten()
        aug_list.append(jnp.take(patch, flat_idx, axis=1))
        argsort_list.append(jnp.argsort(flat_idx))
        flipped_grid = jnp.flip(rotated_grid, axis=1)  # horizontal flip
        flat_flipped_idx = flipped_grid.flatten()
        aug_list.append(jnp.take(patch, flat_flipped_idx, axis=1))
        argsort_list.append(jnp.argsort(flat_flipped_idx))
    aug_tensor = jnp.stack(aug_list, axis=0)
    argsort_tensor = jnp.stack(argsort_list, axis=0)
    # is_validation=True -> identity permutation (deterministic)
    perm = jnp.arange(8, dtype=jnp.int32)
    return aug_tensor, argsort_tensor, perm

if __name__ == "__main__":
    import jax
    _d = setup_inputs()
    print(jax.jit(kernel)(*tuple(_d.values())))

</pallas_src>

<mosaic_0001>
#map = affine_map<(d0, d1) -> (0, 0)>
#map1 = affine_map<(d0, d1) -> (0, 0, 0)>
module attributes {stable_mosaic.version = 14 : i64} {
  func.func @_scatter_augs(%arg0: i32, %arg1: i32, %arg2: memref<18432x768xf32, #tpu.memory_space<hbm>>, %arg3: memref<32x64x72xi32, #tpu.memory_space<hbm>>, %arg4: memref<147456x768xf32, #tpu.memory_space<hbm>>, %arg5: memref<64x72xi32, #tpu.memory_space<vmem>>, %arg6: memref<72x768xf32, #tpu.memory_space<vmem>>, %arg7: memref<72x768xf32, #tpu.memory_space<vmem>>, %arg8: memref<!tpu.dma_semaphore, #tpu.memory_space<semaphore_mem>>, %arg9: memref<!tpu.dma_semaphore, #tpu.memory_space<semaphore_mem>>, %arg10: memref<!tpu.dma_semaphore, #tpu.memory_space<semaphore_mem>>, %arg11: memref<!tpu.dma_semaphore, #tpu.memory_space<semaphore_mem>>) attributes {dimension_semantics = [#tpu.dimension_semantics<core_parallel>, #tpu.dimension_semantics<subcore_parallel>], iteration_bounds = array<i64: 2, 16>, scalar_prefetch = 0 : i64, scratch_operands = 7 : i64, tpu.core_type = #tpu.core_type<sc_vector_subcore>, window_params = [{transform_indices = #map}, {transform_indices = #map1}, {transform_indices = #map}]} {
    %mul3A = arith.constant 2 : i32
    %mul3A_0 = arith.muli %arg1, %mul3A : i32
    %add3A = arith.addi %mul3A_0, %arg0 : i32
    "tpu.region"() ({
      %run_scoped3A = tpu.sem_alloc : memref<!tpu.dma_semaphore, #tpu.memory_space<semaphore_mem>>
      %dma_start3A_19 = arith.constant 0 : i32
      %dma_start3A_20 = arith.constant 0 : i32
      %dma_start3A_21 = tpu.memref_slice %arg3[%add3A, %dma_start3A_19, %dma_start3A_20] : memref<32x64x72xi32, #tpu.memory_space<hbm>> -> memref<1x64x72xi32, #tpu.memory_space<hbm>>
      %dma_start3A_22 = tpu.memref_squeeze %dma_start3A_21 : memref<1x64x72xi32, #tpu.memory_space<hbm>> -> memref<64x72xi32, #tpu.memory_space<hbm>>
      %dma_start3A_23 = arith.constant 0 : i32
      %dma_start3A_24 = arith.constant 0 : i32
      %dma_start3A_25 = tpu.memref_slice %arg3[%add3A, %dma_start3A_23, %dma_start3A_24] : memref<32x64x72xi32, #tpu.memory_space<hbm>> -> memref<1x64x72xi32, #tpu.memory_space<hbm>>
      %dma_start3A_26 = tpu.memref_squeeze %dma_start3A_25 : memref<1x64x72xi32, #tpu.memory_space<hbm>> -> memref<64x72xi32, #tpu.memory_space<hbm>>
      tpu.enqueue_dma source(%dma_start3A_26 : memref<64x72xi32, #tpu.memory_space<hbm>>) target(%arg5 : memref<64x72xi32, #tpu.memory_space<vmem>>) target_semaphore(%run_scoped3A : memref<!tpu.dma_semaphore, #tpu.memory_space<semaphore_mem>>)
      %dma_wait3A = arith.constant 0 : i32
      %dma_wait3A_27 = arith.constant 0 : i32
      %dma_wait3A_28 = tpu.memref_slice %arg3[%add3A, %dma_wait3A, %dma_wait3A_27] : memref<32x64x72xi32, #tpu.memory_space<hbm>> -> memref<1x64x72xi32, #tpu.memory_space<hbm>>
      %dma_wait3A_29 = tpu.memref_squeeze %dma_wait3A_28 : memref<1x64x72xi32, #tpu.memory_space<hbm>> -> memref<64x72xi32, #tpu.memory_space<hbm>>
      %dma_wait3A_30 = arith.constant 0 : i32
      %dma_wait3A_31 = arith.constant 0 : i32
      %dma_wait3A_32 = tpu.memref_slice %arg3[%add3A, %dma_wait3A_30, %dma_wait3A_31] : memref<32x64x72xi32, #tpu.memory_space<hbm>> -> memref<1x64x72xi32, #tpu.memory_space<hbm>>
      %dma_wait3A_33 = tpu.memref_squeeze %dma_wait3A_32 : memref<1x64x72xi32, #tpu.memory_space<hbm>> -> memref<64x72xi32, #tpu.memory_space<hbm>>
      tpu.wait_dma2 semaphore(%run_scoped3A : memref<!tpu.dma_semaphore, #tpu.memory_space<semaphore_mem>>) src(%dma_wait3A_33 : memref<64x72xi32, #tpu.memory_space<hbm>>) dst(%arg5 : memref<64x72xi32, #tpu.memory_space<vmem>>)
      tpu.yield
    }) : () -> ()
    %mul3A_1 = arith.constant 576 : i32
    %mul3A_2 = arith.muli %add3A, %mul3A_1 : i32
    %multiple_of3A = tpu.assume_multiple %mul3A_2, 576 : i32
    %add3A_3 = arith.constant 0 : i32
    %add3A_4 = arith.addi %multiple_of3A, %add3A_3 : i32
    %dma_start3A = arith.constant 0 : i32
    %dma_start3A_5 = tpu.memref_slice %arg2[%add3A_4, %dma_start3A] : memref<18432x768xf32, #tpu.memory_space<hbm>> -> memref<72x768xf32, #tpu.memory_space<hbm>>
    %dma_start3A_6 = arith.constant 0 : i32
    %dma_start3A_7 = tpu.memref_slice %arg2[%add3A_4, %dma_start3A_6] : memref<18432x768xf32, #tpu.memory_space<hbm>> -> memref<72x768xf32, #tpu.memory_space<hbm>>
    tpu.enqueue_dma source(%dma_start3A_7 : memref<72x768xf32, #tpu.memory_space<hbm>>) target(%arg6 : memref<72x768xf32, #tpu.memory_space<vmem>>) target_semaphore(%arg8 : memref<!tpu.dma_semaphore, #tpu.memory_space<semaphore_mem>>)
    %add3A_8 = arith.constant 72 : i32
    %add3A_9 = arith.addi %multiple_of3A, %add3A_8 : i32
    %dma_start3A_10 = arith.constant 0 : i32
    %dma_start3A_11 = tpu.memref_slice %arg2[%add3A_9, %dma_start3A_10] : memref<18432x768xf32, #tpu.memory_space<hbm>> -> memref<72x768xf32, #tpu.memory_space<hbm>>
    %dma_start3A_12 = arith.constant 0 : i32
    %dma_start3A_13 = tpu.memref_slice %arg2[%add3A_9, %dma_start3A_12] : memref<18432x768xf32, #tpu.memory_space<hbm>> -> memref<72x768xf32, #tpu.memory_space<hbm>>
    tpu.enqueue_dma source(%dma_start3A_13 : memref<72x768xf32, #tpu.memory_space<hbm>>) target(%arg7 : memref<72x768xf32, #tpu.memory_space<vmem>>) target_semaphore(%arg9 : memref<!tpu.dma_semaphore, #tpu.memory_space<semaphore_mem>>)
    %scan3A = arith.constant 0 : i32
    %scan3A_14 = arith.constant 0 : i32
    %scan3A_15 = arith.constant 4 : i32
    %scan3A_16 = arith.addi %scan3A_14, %scan3A_15 : i32
    %scan3A_17 = arith.constant 1 : i32
    scf.for %scan3A_19 = %scan3A_14 to %scan3A_16 step %scan3A_17  : i32 {
      %mul3A_20 = arith.constant 2 : i32
      %mul3A_21 = arith.muli %mul3A_20, %scan3A_19 : i32
      %add3A_22 = arith.constant 1 : i32
      %add3A_23 = arith.addi %mul3A_21, %add3A_22 : i32
      %mul3A_24 = arith.constant 72 : i32
      %mul3A_25 = arith.muli %mul3A_21, %mul3A_24 : i32
      %add3A_26 = arith.addi %multiple_of3A, %mul3A_25 : i32
      %dma_wait3A = arith.constant 0 : i32
      %dma_wait3A_27 = tpu.memref_slice %arg2[%add3A_26, %dma_wait3A] : memref<18432x768xf32, #tpu.memory_space<hbm>> -> memref<72x768xf32, #tpu.memory_space<hbm>>
      %dma_wait3A_28 = arith.constant 0 : i32
      %dma_wait3A_29 = tpu.memref_slice %arg2[%add3A_26, %dma_wait3A_28] : memref<18432x768xf32, #tpu.memory_space<hbm>> -> memref<72x768xf32, #tpu.memory_space<hbm>>
      tpu.wait_dma2 semaphore(%arg8 : memref<!tpu.dma_semaphore, #tpu.memory_space<semaphore_mem>>) src(%dma_wait3A_29 : memref<72x768xf32, #tpu.memory_space<hbm>>) dst(%arg6 : memref<72x768xf32, #tpu.memory_space<vmem>>)
      %mul3A_30 = arith.constant 8 : i32
      %mul3A_31 = arith.muli %mul3A_21, %mul3A_30 : i32
      %add3A_32 = arith.constant 0 : i32
      %add3A_33 = arith.addi %mul3A_31, %add3A_32 : i32
      %dma_start3A_34 = arith.constant 0 : i32
      %dma_start3A_35 = tpu.memref_slice %arg5[%add3A_33, %dma_start3A_34] : memref<64x72xi32, #tpu.memory_space<vmem>> -> memref<1x72xi32, #tpu.memory_space<vmem>>
      %dma_start3A_36 = tpu.memref_squeeze %dma_start3A_35 : memref<1x72xi32, #tpu.memory_space<vmem>> -> memref<72xi32, #tpu.memory_space<vmem>>
      %dma_start3A_37 = arith.constant 0 : i32
      %dma_start3A_38 = arith.constant 0 : i32
      %dma_start3A_39 = tpu.memref_slice %arg4[%dma_start3A_37, %dma_start3A_38] : memref<147456x768xf32, #tpu.memory_space<hbm>> -> memref<147456x768xf32, #tpu.memory_space<hbm>>
      tpu.enqueue_indirect_dma source(%arg6 : memref<72x768xf32, #tpu.memory_space<vmem>>) target(%dma_start3A_39 : memref<147456x768xf32, #tpu.memory_space<hbm>>) offsets(%dma_start3A_36 : memref<72xi32, #tpu.memory_space<vmem>>) semaphore(%arg10 : memref<!tpu.dma_semaphore, #tpu.memory_space<semaphore_mem>>)
      %mul3A_40 = arith.constant 8 : i32
      %mul3A_41 = arith.muli %mul3A_21, %mul3A_40 : i32
      %add3A_42 = arith.constant 1 : i32
      %add3A_43 = arith.addi %mul3A_41, %add3A_42 : i32
      %dma_start3A_44 = arith.constant 0 : i32
      %dma_start3A_45 = tpu.memref_slice %arg5[%add3A_43, %dma_start3A_44] : memref<64x72xi32, #tpu.memory_space<vmem>> -> memref<1x72xi32, #tpu.memory_space<vmem>>
      %dma_start3A_46 = tpu.memref_squeeze %dma_start3A_45 : memref<1x72xi32, #tpu.memory_space<vmem>> -> memref<72xi32, #tpu.memory_space<vmem>>
      %dma_start3A_47 = arith.constant 0 : i32
      %dma_start3A_48 = arith.constant 0 : i32
      %dma_start3A_49 = tpu.memref_slice %arg4[%dma_start3A_47, %dma_start3A_48] : memref<147456x768xf32, #tpu.memory_space<hbm>> -> memref<147456x768xf32, #tpu.memory_space<hbm>>
      tpu.enqueue_indirect_dma source(%arg6 : memref<72x768xf32, #tpu.memory_space<vmem>>) target(%dma_start3A_49 : memref<147456x768xf32, #tpu.memory_space<hbm>>) offsets(%dma_start3A_46 : memref<72xi32, #tpu.memory_space<vmem>>) semaphore(%arg10 : memref<!tpu.dma_semaphore, #tpu.memory_space<semaphore_mem>>)
      %mul3A_50 = arith.constant 8 : i32
      %mul3A_51 = arith.muli %mul3A_21, %mul3A_50 : i32
      %add3A_52 = arith.constant 2 : i32
      %add3A_53 = arith.addi %mul3A_51, %add3A_52 : i32
      %dma_start3A_54 = arith.constant 0 : i32
      %dma_start3A_55 = tpu.memref_slice %arg5[%add3A_53, %dma_start3A_54] : memref<64x72xi32, #tpu.memory_space<vmem>> -> memref<1x72xi32, #tpu.memory_space<vmem>>
      %dma_start3A_56 = tpu.memref_squeeze %dma_start3A_55 : memref<1x72xi32, #tpu.memory_space<vmem>> -> memref<72xi32, #tpu.memory_space<vmem>>
      %dma_start3A_57 = arith.constant 0 : i32
      %dma_start3A_58 = arith.constant 0 : i32
      %dma_start3A_59 = tpu.memref_slice %arg4[%dma_start3A_57, %dma_start3A_58] : memref<147456x768xf32, #tpu.memory_space<hbm>> -> memref<147456x768xf32, #tpu.memory_space<hbm>>
      tpu.enqueue_indirect_dma source(%arg6 : memref<72x768xf32, #tpu.memory_space<vmem>>) target(%dma_start3A_59 : memref<147456x768xf32, #tpu.memory_space<hbm>>) offsets(%dma_start3A_56 : memref<72xi32, #tpu.memory_space<vmem>>) semaphore(%arg10 : memref<!tpu.dma_semaphore, #tpu.memory_space<semaphore_mem>>)
      %mul3A_60 = arith.constant 8 : i32
      %mul3A_61 = arith.muli %mul3A_21, %mul3A_60 : i32
      %add3A_62 = arith.constant 3 : i32
      %add3A_63 = arith.addi %mul3A_61, %add3A_62 : i32
      %dma_start3A_64 = arith.constant 0 : i32
      %dma_start3A_65 = tpu.memref_slice %arg5[%add3A_63, %dma_start3A_64] : memref<64x72xi32, #tpu.memory_space<vmem>> -> memref<1x72xi32, #tpu.memory_space<vmem>>
      %dma_start3A_66 = tpu.memref_squeeze %dma_start3A_65 : memref<1x72xi32, #tpu.memory_space<vmem>> -> memref<72xi32, #tpu.memory_space<vmem>>
      %dma_start3A_67 = arith.constant 0 : i32
      %dma_start3A_68 = arith.constant 0 : i32
      %dma_start3A_69 = tpu.memref_slice %arg4[%dma_start3A_67, %dma_start3A_68] : memref<147456x768xf32, #tpu.memory_space<hbm>> -> memref<147456x768xf32, #tpu.memory_space<hbm>>
      tpu.enqueue_indirect_dma source(%arg6 : memref<72x768xf32, #tpu.memory_space<vmem>>) target(%dma_start3A_69 : memref<147456x768xf32, #tpu.memory_space<hbm>>) offsets(%dma_start3A_66 : memref<72xi32, #tpu.memory_space<vmem>>) semaphore(%arg10 : memref<!tpu.dma_semaphore, #tpu.memory_space<semaphore_mem>>)
      %mul3A_70 = arith.constant 8 : i32
      %mul3A_71 = arith.muli %mul3A_21, %mul3A_70 : i32
      %add3A_72 = arith.constant 4 : i32
      %add3A_73 = arith.addi %mul3A_71, %add3A_72 : i32
      %dma_start3A_74 = arith.constant 0 : i32
      %dma_start3A_75 = tpu.memref_slice %arg5[%add3A_73, %dma_start3A_74] : memref<64x72xi32, #tpu.memory_space<vmem>> -> memref<1x72xi32, #tpu.memory_space<vmem>>
      %dma_start3A_76 = tpu.memref_squeeze %dma_start3A_75 : memref<1x72xi32, #tpu.memory_space<vmem>> -> memref<72xi32, #tpu.memory_space<vmem>>
      %dma_start3A_77 = arith.constant 0 : i32
      %dma_start3A_78 = arith.constant 0 : i32
      %dma_start3A_79 = tpu.memref_slice %arg4[%dma_start3A_77, %dma_start3A_78] : memref<147456x768xf32, #tpu.memory_space<hbm>> -> memref<147456x768xf32, #tpu.memory_space<hbm>>
      tpu.enqueue_indirect_dma source(%arg6 : memref<72x768xf32, #tpu.memory_space<vmem>>) target(%dma_start3A_79 : memref<147456x768xf32, #tpu.memory_space<hbm>>) offsets(%dma_start3A_76 : memref<72xi32, #tpu.memory_space<vmem>>) semaphore(%arg10 : memref<!tpu.dma_semaphore, #tpu.memory_space<semaphore_mem>>)
      %mul3A_80 = arith.constant 8 : i32
      %mul3A_81 = arith.muli %mul3A_21, %mul3A_80 : i32
      %add3A_82 = arith.constant 5 : i32
      %add3A_83 = arith.addi %mul3A_81, %add3A_82 : i32
      %dma_start3A_84 = arith.constant 0 : i32
      %dma_start3A_85 = tpu.memref_slice %arg5[%add3A_83, %dma_start3A_84] : memref<64x72xi32, #tpu.memory_space<vmem>> -> memref<1x72xi32, #tpu.memory_space<vmem>>
      %dma_start3A_86 = tpu.memref_squeeze %dma_start3A_85 : memref<1x72xi32, #tpu.memory_space<vmem>> -> memref<72xi32, #tpu.memory_space<vmem>>
      %dma_start3A_87 = arith.constant 0 : i32
      %dma_start3A_88 = arith.constant 0 : i32
      %dma_start3A_89 = tpu.memref_slice %arg4[%dma_start3A_87, %dma_start3A_88] : memref<147456x768xf32, #tpu.memory_space<hbm>> -> memref<147456x768xf32, #tpu.memory_space<hbm>>
      tpu.enqueue_indirect_dma source(%arg6 : memref<72x768xf32, #tpu.memory_space<vmem>>) target(%dma_start3A_89 : memref<147456x768xf32, #tpu.memory_space<hbm>>) offsets(%dma_start3A_86 : memref<72xi32, #tpu.memory_space<vmem>>) semaphore(%arg10 : memref<!tpu.dma_semaphore, #tpu.memory_space<semaphore_mem>>)
      %mul3A_90 = arith.constant 8 : i32
      %mul3A_91 = arith.muli %mul3A_21, %mul3A_90 : i32
      %add3A_92 = arith.constant 6 : i32
      %add3A_93 = arith.addi %mul3A_91, %add3A_92 : i32
      %dma_start3A_94 = arith.constant 0 : i32
      %dma_start3A_95 = tpu.memref_slice %arg5[%add3A_93, %dma_start3A_94] : memref<64x72xi32, #tpu.memory_space<vmem>> -> memref<1x72xi32, #tpu.memory_space<vmem>>
      %dma_start3A_96 = tpu.memref_squeeze %dma_start3A_95 : memref<1x72xi32, #tpu.memory_space<vmem>> -> memref<72xi32, #tpu.memory_space<vmem>>
      %dma_start3A_97 = arith.constant 0 : i32
      %dma_start3A_98 = arith.constant 0 : i32
      %dma_start3A_99 = tpu.memref_slice %arg4[%dma_start3A_97, %dma_start3A_98] : memref<147456x768xf32, #tpu.memory_space<hbm>> -> memref<147456x768xf32, #tpu.memory_space<hbm>>
      tpu.enqueue_indirect_dma source(%arg6 : memref<72x768xf32, #tpu.memory_space<vmem>>) target(%dma_start3A_99 : memref<147456x768xf32, #tpu.memory_space<hbm>>) offsets(%dma_start3A_96 : memref<72xi32, #tpu.memory_space<vmem>>) semaphore(%arg10 : memref<!tpu.dma_semaphore, #tpu.memory_space<semaphore_mem>>)
      %mul3A_100 = arith.constant 8 : i32
      %mul3A_101 = arith.muli %mul3A_21, %mul3A_100 : i32
      %add3A_102 = arith.constant 7 : i32
      %add3A_103 = arith.addi %mul3A_101, %add3A_102 : i32
      %dma_start3A_104 = arith.constant 0 : i32
      %dma_start3A_105 = tpu.memref_slice %arg5[%add3A_103, %dma_start3A_104] : memref<64x72xi32, #tpu.memory_space<vmem>> -> memref<1x72xi32, #tpu.memory_space<vmem>>
      %dma_start3A_106 = tpu.memref_squeeze %dma_start3A_105 : memref<1x72xi32, #tpu.memory_space<vmem>> -> memref<72xi32, #tpu.memory_space<vmem>>
      %dma_start3A_107 = arith.constant 0 : i32
      %dma_start3A_108 = arith.constant 0 : i32
      %dma_start3A_109 = tpu.memref_slice %arg4[%dma_start3A_107, %dma_start3A_108] : memref<147456x768xf32, #tpu.memory_space<hbm>> -> memref<147456x768xf32, #tpu.memory_space<hbm>>
      tpu.enqueue_indirect_dma source(%arg6 : memref<72x768xf32, #tpu.memory_space<vmem>>) target(%dma_start3A_109 : memref<147456x768xf32, #tpu.memory_space<hbm>>) offsets(%dma_start3A_106 : memref<72xi32, #tpu.memory_space<vmem>>) semaphore(%arg10 : memref<!tpu.dma_semaphore, #tpu.memory_space<semaphore_mem>>)
      %mul3A_110 = arith.constant 72 : i32
      %mul3A_111 = arith.muli %add3A_23, %mul3A_110 : i32
      %add3A_112 = arith.addi %multiple_of3A, %mul3A_111 : i32
      %dma_wait3A_113 = arith.constant 0 : i32
      %dma_wait3A_114 = tpu.memref_slice %arg2[%add3A_112, %dma_wait3A_113] : memref<18432x768xf32, #tpu.memory_space<hbm>> -> memref<72x768xf32, #tpu.memory_space<hbm>>
      %dma_wait3A_115 = arith.constant 0 : i32
      %dma_wait3A_116 = tpu.memref_slice %arg2[%add3A_112, %dma_wait3A_115] : memref<18432x768xf32, #tpu.memory_space<hbm>> -> memref<72x768xf32, #tpu.memory_space<hbm>>
      tpu.wait_dma2 semaphore(%arg9 : memref<!tpu.dma_semaphore, #tpu.memory_space<semaphore_mem>>) src(%dma_wait3A_116 : memref<72x768xf32, #tpu.memory_space<hbm>>) dst(%arg7 : memref<72x768xf32, #tpu.memory_space<vmem>>)
      %mul3A_117 = arith.constant 8 : i32
      %mul3A_118 = arith.muli %add3A_23, %mul3A_117 : i32
      %add3A_119 = arith.constant 0 : i32
      %add3A_120 = arith.addi %mul3A_118, %add3A_119 : i32
      %dma_start3A_121 = arith.constant 0 : i32
      %dma_start3A_122 = tpu.memref_slice %arg5[%add3A_120, %dma_start3A_121] : memref<64x72xi32, #tpu.memory_space<vmem>> -> memref<1x72xi32, #tpu.memory_space<vmem>>
      %dma_start3A_123 = tpu.memref_squeeze %dma_start3A_122 : memref<1x72xi32, #tpu.memory_space<vmem>> -> memref<72xi32, #tpu.memory_space<vmem>>
      %dma_start3A_124 = arith.constant 0 : i32
      %dma_start3A_125 = arith.constant 0 : i32
      %dma_start3A_126 = tpu.memref_slice %arg4[%dma_start3A_124, %dma_start3A_125] : memref<147456x768xf32, #tpu.memory_space<hbm>> -> memref<147456x768xf32, #tpu.memory_space<hbm>>
      tpu.enqueue_indirect_dma source(%arg7 : memref<72x768xf32, #tpu.memory_space<vmem>>) target(%dma_start3A_126 : memref<147456x768xf32, #tpu.memory_space<hbm>>) offsets(%dma_start3A_123 : memref<72xi32, #tpu.memory_space<vmem>>) semaphore(%arg11 : memref<!tpu.dma_semaphore, #tpu.memory_space<semaphore_mem>>)
      %mul3A_127 = arith.constant 8 : i32
      %mul3A_128 = arith.muli %add3A_23, %mul3A_127 : i32
      %add3A_129 = arith.constant 1 : i32
      %add3A_130 = arith.addi %mul3A_128, %add3A_129 : i32
      %dma_start3A_131 = arith.constant 0 : i32
      %dma_start3A_132 = tpu.memref_slice %arg5[%add3A_130, %dma_start3A_131] : memref<64x72xi32, #tpu.memory_space<vmem>> -> memref<1x72xi32, #tpu.memory_space<vmem>>
      %dma_start3A_133 = tpu.memref_squeeze %dma_start3A_132 : memref<1x72xi32, #tpu.memory_space<vmem>> -> memref<72xi32, #tpu.memory_space<vmem>>
      %dma_start3A_134 = arith.constant 0 : i32
      %dma_start3A_135 = arith.constant 0 : i32
      %dma_start3A_136 = tpu.memref_slice %arg4[%dma_start3A_134, %dma_start3A_135] : memref<147456x768xf32, #tpu.memory_space<hbm>> -> memref<147456x768xf32, #tpu.memory_space<hbm>>
      tpu.enqueue_indirect_dma source(%arg7 : memref<72x768xf32, #tpu.memory_space<vmem>>) target(%dma_start3A_136 : memref<147456x768xf32, #tpu.memory_space<hbm>>) offsets(%dma_start3A_133 : memref<72xi32, #tpu.memory_space<vmem>>) semaphore(%arg11 : memref<!tpu.dma_semaphore, #tpu.memory_space<semaphore_mem>>)
      %mul3A_137 = arith.constant 8 : i32
      %mul3A_138 = arith.muli %add3A_23, %mul3A_137 : i32
      %add3A_139 = arith.constant 2 : i32
      %add3A_140 = arith.addi %mul3A_138, %add3A_139 : i32
      %dma_start3A_141 = arith.constant 0 : i32
      %dma_start3A_142 = tpu.memref_slice %arg5[%add3A_140, %dma_start3A_141] : memref<64x72xi32, #tpu.memory_space<vmem>> -> memref<1x72xi32, #tpu.memory_space<vmem>>
      %dma_start3A_143 = tpu.memref_squeeze %dma_start3A_142 : memref<1x72xi32, #tpu.memory_space<vmem>> -> memref<72xi32, #tpu.memory_space<vmem>>
      %dma_start3A_144 = arith.constant 0 : i32
      %dma_start3A_145 = arith.constant 0 : i32
      %dma_start3A_146 = tpu.memref_slice %arg4[%dma_start3A_144, %dma_start3A_145] : memref<147456x768xf32, #tpu.memory_space<hbm>> -> memref<147456x768xf32, #tpu.memory_space<hbm>>
      tpu.enqueue_indirect_dma source(%arg7 : memref<72x768xf32, #tpu.memory_space<vmem>>) target(%dma_start3A_146 : memref<147456x768xf32, #tpu.memory_space<hbm>>) offsets(%dma_start3A_143 : memref<72xi32, #tpu.memory_space<vmem>>) semaphore(%arg11 : memref<!tpu.dma_semaphore, #tpu.memory_space<semaphore_mem>>)
      %mul3A_147 = arith.constant 8 : i32
      %mul3A_148 = arith.muli %add3A_23, %mul3A_147 : i32
      %add3A_149 = arith.constant 3 : i32
      %add3A_150 = arith.addi %mul3A_148, %add3A_149 : i32
      %dma_start3A_151 = arith.constant 0 : i32
      %dma_start3A_152 = tpu.memref_slice %arg5[%add3A_150, %dma_start3A_151] : memref<64x72xi32, #tpu.memory_space<vmem>> -> memref<1x72xi32, #tpu.memory_space<vmem>>
      %dma_start3A_153 = tpu.memref_squeeze %dma_start3A_152 : memref<1x72xi32, #tpu.memory_space<vmem>> -> memref<72xi32, #tpu.memory_space<vmem>>
      %dma_start3A_154 = arith.constant 0 : i32
      %dma_start3A_155 = arith.constant 0 : i32
      %dma_start3A_156 = tpu.memref_slice %arg4[%dma_start3A_154, %dma_start3A_155] : memref<147456x768xf32, #tpu.memory_space<hbm>> -> memref<147456x768xf32, #tpu.memory_space<hbm>>
      tpu.enqueue_indirect_dma source(%arg7 : memref<72x768xf32, #tpu.memory_space<vmem>>) target(%dma_start3A_156 : memref<147456x768xf32, #tpu.memory_space<hbm>>) offsets(%dma_start3A_153 : memref<72xi32, #tpu.memory_space<vmem>>) semaphore(%arg11 : memref<!tpu.dma_semaphore, #tpu.memory_space<semaphore_mem>>)
      %mul3A_157 = arith.constant 8 : i32
      %mul3A_158 = arith.muli %add3A_23, %mul3A_157 : i32
      %add3A_159 = arith.constant 4 : i32
      %add3A_160 = arith.addi %mul3A_158, %add3A_159 : i32
      %dma_start3A_161 = arith.constant 0 : i32
      %dma_start3A_162 = tpu.memref_slice %arg5[%add3A_160, %dma_start3A_161] : memref<64x72xi32, #tpu.memory_space<vmem>> -> memref<1x72xi32, #tpu.memory_space<vmem>>
      %dma_start3A_163 = tpu.memref_squeeze %dma_start3A_162 : memref<1x72xi32, #tpu.memory_space<vmem>> -> memref<72xi32, #tpu.memory_space<vmem>>
      %dma_start3A_164 = arith.constant 0 : i32
      %dma_start3A_165 = arith.constant 0 : i32
      %dma_start3A_166 = tpu.memref_slice %arg4[%dma_start3A_164, %dma_start3A_165] : memref<147456x768xf32, #tpu.memory_space<hbm>> -> memref<147456x768xf32, #tpu.memory_space<hbm>>
      tpu.enqueue_indirect_dma source(%arg7 : memref<72x768xf32, #tpu.memory_space<vmem>>) target(%dma_start3A_166 : memref<147456x768xf32, #tpu.memory_space<hbm>>) offsets(%dma_start3A_163 : memref<72xi32, #tpu.memory_space<vmem>>) semaphore(%arg11 : memref<!tpu.dma_semaphore, #tpu.memory_space<semaphore_mem>>)
      %mul3A_167 = arith.constant 8 : i32
      %mul3A_168 = arith.muli %add3A_23, %mul3A_167 : i32
      %add3A_169 = arith.constant 5 : i32
      %add3A_170 = arith.addi %mul3A_168, %add3A_169 : i32
      %dma_start3A_171 = arith.constant 0 : i32
      %dma_start3A_172 = tpu.memref_slice %arg5[%add3A_170, %dma_start3A_171] : memref<64x72xi32, #tpu.memory_space<vmem>> -> memref<1x72xi32, #tpu.memory_space<vmem>>
      %dma_start3A_173 = tpu.memref_squeeze %dma_start3A_172 : memref<1x72xi32, #tpu.memory_space<vmem>> -> memref<72xi32, #tpu.memory_space<vmem>>
      %dma_start3A_174 = arith.constant 0 : i32
      %dma_start3A_175 = arith.constant 0 : i32
      %dma_start3A_176 = tpu.memref_slice %arg4[%dma_start3A_174, %dma_start3A_175] : memref<147456x768xf32, #tpu.memory_space<hbm>> -> memref<147456x768xf32, #tpu.memory_space<hbm>>
      tpu.enqueue_indirect_dma source(%arg7 : memref<72x768xf32, #tpu.memory_space<vmem>>) target(%dma_start3A_176 : memref<147456x768xf32, #tpu.memory_space<hbm>>) offsets(%dma_start3A_173 : memref<72xi32, #tpu.memory_space<vmem>>) semaphore(%arg11 : memref<!tpu.dma_semaphore, #tpu.memory_space<semaphore_mem>>)
      %mul3A_177 = arith.constant 8 : i32
      %mul3A_178 = arith.muli %add3A_23, %mul3A_177 : i32
      %add3A_179 = arith.constant 6 : i32
      %add3A_180 = arith.addi %mul3A_178, %add3A_179 : i32
      %dma_start3A_181 = arith.constant 0 : i32
      %dma_start3A_182 = tpu.memref_slice %arg5[%add3A_180, %dma_start3A_181] : memref<64x72xi32, #tpu.memory_space<vmem>> -> memref<1x72xi32, #tpu.memory_space<vmem>>
      %dma_start3A_183 = tpu.memref_squeeze %dma_start3A_182 : memref<1x72xi32, #tpu.memory_space<vmem>> -> memref<72xi32, #tpu.memory_space<vmem>>
      %dma_start3A_184 = arith.constant 0 : i32
      %dma_start3A_185 = arith.constant 0 : i32
      %dma_start3A_186 = tpu.memref_slice %arg4[%dma_start3A_184, %dma_start3A_185] : memref<147456x768xf32, #tpu.memory_space<hbm>> -> memref<147456x768xf32, #tpu.memory_space<hbm>>
      tpu.enqueue_indirect_dma source(%arg7 : memref<72x768xf32, #tpu.memory_space<vmem>>) target(%dma_start3A_186 : memref<147456x768xf32, #tpu.memory_space<hbm>>) offsets(%dma_start3A_183 : memref<72xi32, #tpu.memory_space<vmem>>) semaphore(%arg11 : memref<!tpu.dma_semaphore, #tpu.memory_space<semaphore_mem>>)
      %mul3A_187 = arith.constant 8 : i32
      %mul3A_188 = arith.muli %add3A_23, %mul3A_187 : i32
      %add3A_189 = arith.constant 7 : i32
      %add3A_190 = arith.addi %mul3A_188, %add3A_189 : i32
      %dma_start3A_191 = arith.constant 0 : i32
      %dma_start3A_192 = tpu.memref_slice %arg5[%add3A_190, %dma_start3A_191] : memref<64x72xi32, #tpu.memory_space<vmem>> -> memref<1x72xi32, #tpu.memory_space<vmem>>
      %dma_start3A_193 = tpu.memref_squeeze %dma_start3A_192 : memref<1x72xi32, #tpu.memory_space<vmem>> -> memref<72xi32, #tpu.memory_space<vmem>>
      %dma_start3A_194 = arith.constant 0 : i32
      %dma_start3A_195 = arith.constant 0 : i32
      %dma_start3A_196 = tpu.memref_slice %arg4[%dma_start3A_194, %dma_start3A_195] : memref<147456x768xf32, #tpu.memory_space<hbm>> -> memref<147456x768xf32, #tpu.memory_space<hbm>>
      tpu.enqueue_indirect_dma source(%arg7 : memref<72x768xf32, #tpu.memory_space<vmem>>) target(%dma_start3A_196 : memref<147456x768xf32, #tpu.memory_space<hbm>>) offsets(%dma_start3A_193 : memref<72xi32, #tpu.memory_space<vmem>>) semaphore(%arg11 : memref<!tpu.dma_semaphore, #tpu.memory_space<semaphore_mem>>)
      %mul3A_197 = arith.constant 8 : i32
      %mul3A_198 = arith.muli %mul3A_21, %mul3A_197 : i32
      %add3A_199 = arith.constant 0 : i32
      %add3A_200 = arith.addi %mul3A_198, %add3A_199 : i32
      %dma_wait3A_201 = arith.constant 0 : i32
      %dma_wait3A_202 = tpu.memref_slice %arg5[%add3A_200, %dma_wait3A_201] : memref<64x72xi32, #tpu.memory_space<vmem>> -> memref<1x72xi32, #tpu.memory_space<vmem>>
      %dma_wait3A_203 = tpu.memref_squeeze %dma_wait3A_202 : memref<1x72xi32, #tpu.memory_space<vmem>> -> memref<72xi32, #tpu.memory_space<vmem>>
      %dma_wait3A_204 = arith.constant 0 : i32
      %dma_wait3A_205 = arith.constant 0 : i32
      %dma_wait3A_206 = tpu.memref_slice %arg4[%dma_wait3A_204, %dma_wait3A_205] : memref<147456x768xf32, #tpu.memory_space<hbm>> -> memref<147456x768xf32, #tpu.memory_space<hbm>>
      tpu.wait_indirect_dma semaphore(%arg10 : memref<!tpu.dma_semaphore, #tpu.memory_space<semaphore_mem>>) src(%arg6 : memref<72x768xf32, #tpu.memory_space<vmem>>) dst(%dma_wait3A_206 : memref<147456x768xf32, #tpu.memory_space<hbm>>)
      %mul3A_207 = arith.constant 8 : i32
      %mul3A_208 = arith.muli %mul3A_21, %mul3A_207 : i32
      %add3A_209 = arith.constant 1 : i32
      %add3A_210 = arith.addi %mul3A_208, %add3A_209 : i32
      %dma_wait3A_211 = arith.constant 0 : i32
      %dma_wait3A_212 = tpu.memref_slice %arg5[%add3A_210, %dma_wait3A_211] : memref<64x72xi32, #tpu.memory_space<vmem>> -> memref<1x72xi32, #tpu.memory_space<vmem>>
      %dma_wait3A_213 = tpu.memref_squeeze %dma_wait3A_212 : memref<1x72xi32, #tpu.memory_space<vmem>> -> memref<72xi32, #tpu.memory_space<vmem>>
      %dma_wait3A_214 = arith.constant 0 : i32
      %dma_wait3A_215 = arith.constant 0 : i32
      %dma_wait3A_216 = tpu.memref_slice %arg4[%dma_wait3A_214, %dma_wait3A_215] : memref<147456x768xf32, #tpu.memory_space<hbm>> -> memref<147456x768xf32, #tpu.memory_space<hbm>>
      tpu.wait_indirect_dma semaphore(%arg10 : memref<!tpu.dma_semaphore, #tpu.memory_space<semaphore_mem>>) src(%arg6 : memref<72x768xf32, #tpu.memory_space<vmem>>) dst(%dma_wait3A_216 : memref<147456x768xf32, #tpu.memory_space<hbm>>)
      %mul3A_217 = arith.constant 8 : i32
      %mul3A_218 = arith.muli %mul3A_21, %mul3A_217 : i32
      %add3A_219 = arith.constant 2 : i32
      %add3A_220 = arith.addi %mul3A_218, %add3A_219 : i32
      %dma_wait3A_221 = arith.constant 0 : i32
      %dma_wait3A_222 = tpu.memref_slice %arg5[%add3A_220, %dma_wait3A_221] : memref<64x72xi32, #tpu.memory_space<vmem>> -> memref<1x72xi32, #tpu.memory_space<vmem>>
      %dma_wait3A_223 = tpu.memref_squeeze %dma_wait3A_222 : memref<1x72xi32, #tpu.memory_space<vmem>> -> memref<72xi32, #tpu.memory_space<vmem>>
      %dma_wait3A_224 = arith.constant 0 : i32
      %dma_wait3A_225 = arith.constant 0 : i32
      %dma_wait3A_226 = tpu.memref_slice %arg4[%dma_wait3A_224, %dma_wait3A_225] : memref<147456x768xf32, #tpu.memory_space<hbm>> -> memref<147456x768xf32, #tpu.memory_space<hbm>>
      tpu.wait_indirect_dma semaphore(%arg10 : memref<!tpu.dma_semaphore, #tpu.memory_space<semaphore_mem>>) src(%arg6 : memref<72x768xf32, #tpu.memory_space<vmem>>) dst(%dma_wait3A_226 : memref<147456x768xf32, #tpu.memory_space<hbm>>)
      %mul3A_227 = arith.constant 8 : i32
      %mul3A_228 = arith.muli %mul3A_21, %mul3A_227 : i32
      %add3A_229 = arith.constant 3 : i32
      %add3A_230 = arith.addi %mul3A_228, %add3A_229 : i32
      %dma_wait3A_231 = arith.constant 0 : i32
      %dma_wait3A_232 = tpu.memref_slice %arg5[%add3A_230, %dma_wait3A_231] : memref<64x72xi32, #tpu.memory_space<vmem>> -> memref<1x72xi32, #tpu.memory_space<vmem>>
      %dma_wait3A_233 = tpu.memref_squeeze %dma_wait3A_232 : memref<1x72xi32, #tpu.memory_space<vmem>> -> memref<72xi32, #tpu.memory_space<vmem>>
      %dma_wait3A_234 = arith.constant 0 : i32
      %dma_wait3A_235 = arith.constant 0 : i32
      %dma_wait3A_236 = tpu.memref_slice %arg4[%dma_wait3A_234, %dma_wait3A_235] : memref<147456x768xf32, #tpu.memory_space<hbm>> -> memref<147456x768xf32, #tpu.memory_space<hbm>>
      tpu.wait_indirect_dma semaphore(%arg10 : memref<!tpu.dma_semaphore, #tpu.memory_space<semaphore_mem>>) src(%arg6 : memref<72x768xf32, #tpu.memory_space<vmem>>) dst(%dma_wait3A_236 : memref<147456x768xf32, #tpu.memory_space<hbm>>)
      %mul3A_237 = arith.constant 8 : i32
      %mul3A_238 = arith.muli %mul3A_21, %mul3A_237 : i32
      %add3A_239 = arith.constant 4 : i32
      %add3A_240 = arith.addi %mul3A_238, %add3A_239 : i32
      %dma_wait3A_241 = arith.constant 0 : i32
      %dma_wait3A_242 = tpu.memref_slice %arg5[%add3A_240, %dma_wait3A_241] : memref<64x72xi32, #tpu.memory_space<vmem>> -> memref<1x72xi32, #tpu.memory_space<vmem>>
      %dma_wait3A_243 = tpu.memref_squeeze %dma_wait3A_242 : memref<1x72xi32, #tpu.memory_space<vmem>> -> memref<72xi32, #tpu.memory_space<vmem>>
      %dma_wait3A_244 = arith.constant 0 : i32
      %dma_wait3A_245 = arith.constant 0 : i32
      %dma_wait3A_246 = tpu.memref_slice %arg4[%dma_wait3A_244, %dma_wait3A_245] : memref<147456x768xf32, #tpu.memory_space<hbm>> -> memref<147456x768xf32, #tpu.memory_space<hbm>>
      tpu.wait_indirect_dma semaphore(%arg10 : memref<!tpu.dma_semaphore, #tpu.memory_space<semaphore_mem>>) src(%arg6 : memref<72x768xf32, #tpu.memory_space<vmem>>) dst(%dma_wait3A_246 : memref<147456x768xf32, #tpu.memory_space<hbm>>)
      %mul3A_247 = arith.constant 8 : i32
      %mul3A_248 = arith.muli %mul3A_21, %mul3A_247 : i32
      %add3A_249 = arith.constant 5 : i32
      %add3A_250 = arith.addi %mul3A_248, %add3A_249 : i32
      %dma_wait3A_251 = arith.constant 0 : i32
      %dma_wait3A_252 = tpu.memref_slice %arg5[%add3A_250, %dma_wait3A_251] : memref<64x72xi32, #tpu.memory_space<vmem>> -> memref<1x72xi32, #tpu.memory_space<vmem>>
      %dma_wait3A_253 = tpu.memref_squeeze %dma_wait3A_252 : memref<1x72xi32, #tpu.memory_space<vmem>> -> memref<72xi32, #tpu.memory_space<vmem>>
      %dma_wait3A_254 = arith.constant 0 : i32
      %dma_wait3A_255 = arith.constant 0 : i32
      %dma_wait3A_256 = tpu.memref_slice %arg4[%dma_wait3A_254, %dma_wait3A_255] : memref<147456x768xf32, #tpu.memory_space<hbm>> -> memref<147456x768xf32, #tpu.memory_space<hbm>>
      tpu.wait_indirect_dma semaphore(%arg10 : memref<!tpu.dma_semaphore, #tpu.memory_space<semaphore_mem>>) src(%arg6 : memref<72x768xf32, #tpu.memory_space<vmem>>) dst(%dma_wait3A_256 : memref<147456x768xf32, #tpu.memory_space<hbm>>)
      %mul3A_257 = arith.constant 8 : i32
      %mul3A_258 = arith.muli %mul3A_21, %mul3A_257 : i32
      %add3A_259 = arith.constant 6 : i32
      %add3A_260 = arith.addi %mul3A_258, %add3A_259 : i32
      %dma_wait3A_261 = arith.constant 0 : i32
      %dma_wait3A_262 = tpu.memref_slice %arg5[%add3A_260, %dma_wait3A_261] : memref<64x72xi32, #tpu.memory_space<vmem>> -> memref<1x72xi32, #tpu.memory_space<vmem>>
      %dma_wait3A_263 = tpu.memref_squeeze %dma_wait3A_262 : memref<1x72xi32, #tpu.memory_space<vmem>> -> memref<72xi32, #tpu.memory_space<vmem>>
      %dma_wait3A_264 = arith.constant 0 : i32
      %dma_wait3A_265 = arith.constant 0 : i32
      %dma_wait3A_266 = tpu.memref_slice %arg4[%dma_wait3A_264, %dma_wait3A_265] : memref<147456x768xf32, #tpu.memory_space<hbm>> -> memref<147456x768xf32, #tpu.memory_space<hbm>>
      tpu.wait_indirect_dma semaphore(%arg10 : memref<!tpu.dma_semaphore, #tpu.memory_space<semaphore_mem>>) src(%arg6 : memref<72x768xf32, #tpu.memory_space<vmem>>) dst(%dma_wait3A_266 : memref<147456x768xf32, #tpu.memory_space<hbm>>)
      %mul3A_267 = arith.constant 8 : i32
      %mul3A_268 = arith.muli %mul3A_21, %mul3A_267 : i32
      %add3A_269 = arith.constant 7 : i32
      %add3A_270 = arith.addi %mul3A_268, %add3A_269 : i32
      %dma_wait3A_271 = arith.constant 0 : i32
      %dma_wait3A_272 = tpu.memref_slice %arg5[%add3A_270, %dma_wait3A_271] : memref<64x72xi32, #tpu.memory_space<vmem>> -> memref<1x72xi32, #tpu.memory_space<vmem>>
      %dma_wait3A_273 = tpu.memref_squeeze %dma_wait3A_272 : memref<1x72xi32, #tpu.memory_space<vmem>> -> memref<72xi32, #tpu.memory_space<vmem>>
      %dma_wait3A_274 = arith.constant 0 : i32
      %dma_wait3A_275 = arith.constant 0 : i32
      %dma_wait3A_276 = tpu.memref_slice %arg4[%dma_wait3A_274, %dma_wait3A_275] : memref<147456x768xf32, #tpu.memory_space<hbm>> -> memref<147456x768xf32, #tpu.memory_space<hbm>>
      tpu.wait_indirect_dma semaphore(%arg10 : memref<!tpu.dma_semaphore, #tpu.memory_space<semaphore_mem>>) src(%arg6 : memref<72x768xf32, #tpu.memory_space<vmem>>) dst(%dma_wait3A_276 : memref<147456x768xf32, #tpu.memory_space<hbm>>)
      %add3A_277 = arith.constant 2 : i32
      %add3A_278 = arith.addi %mul3A_21, %add3A_277 : i32
      %lt3A = arith.constant 8 : i32
      %lt3A_279 = arith.cmpi slt, %add3A_278, %lt3A : i32
      %convert_element_type3A = arith.extui %lt3A_279 : i1 to i32
      %cond3A = arith.constant 0 : i32
      %cond3A_280 = arith.cmpi ne, %convert_element_type3A, %cond3A : i32
      scf.if %cond3A_280 {
        %add3A_368 = arith.constant 2 : i32
        %add3A_369 = arith.addi %mul3A_21, %add3A_368 : i32
        %mul3A_370 = arith.constant 72 : i32
        %mul3A_371 = arith.muli %add3A_369, %mul3A_370 : i32
        %add3A_372 = arith.addi %multiple_of3A, %mul3A_371 : i32
        %dma_start3A_373 = arith.constant 0 : i32
        %dma_start3A_374 = tpu.memref_slice %arg2[%add3A_372, %dma_start3A_373] : memref<18432x768xf32, #tpu.memory_space<hbm>> -> memref<72x768xf32, #tpu.memory_space<hbm>>
        %dma_start3A_375 = arith.constant 0 : i32
        %dma_start3A_376 = tpu.memref_slice %arg2[%add3A_372, %dma_start3A_375] : memref<18432x768xf32, #tpu.memory_space<hbm>> -> memref<72x768xf32, #tpu.memory_space<hbm>>
        tpu.enqueue_dma source(%dma_start3A_376 : memref<72x768xf32, #tpu.memory_space<hbm>>) target(%arg6 : memref<72x768xf32, #tpu.memory_space<vmem>>) target_semaphore(%arg8 : memref<!tpu.dma_semaphore, #tpu.memory_space<semaphore_mem>>)
      } else {
      }
      %mul3A_281 = arith.constant 8 : i32
      %mul3A_282 = arith.muli %add3A_23, %mul3A_281 : i32
      %add3A_283 = arith.constant 0 : i32
      %add3A_284 = arith.addi %mul3A_282, %add3A_283 : i32
      %dma_wait3A_285 = arith.constant 0 : i32
      %dma_wait3A_286 = tpu.memref_slice %arg5[%add3A_284, %dma_wait3A_285] : memref<64x72xi32, #tpu.memory_space<vmem>> -> memref<1x72xi32, #tpu.memory_space<vmem>>
      %dma_wait3A_287 = tpu.memref_squeeze %dma_wait3A_286 : memref<1x72xi32, #tpu.memory_space<vmem>> -> memref<72xi32, #tpu.memory_space<vmem>>
      %dma_wait3A_288 = arith.constant 0 : i32
      %dma_wait3A_289 = arith.constant 0 : i32
      %dma_wait3A_290 = tpu.memref_slice %arg4[%dma_wait3A_288, %dma_wait3A_289] : memref<147456x768xf32, #tpu.memory_space<hbm>> -> memref<147456x768xf32, #tpu.memory_space<hbm>>
      tpu.wait_indirect_dma semaphore(%arg11 : memref<!tpu.dma_semaphore, #tpu.memory_space<semaphore_mem>>) src(%arg7 : memref<72x768xf32, #tpu.memory_space<vmem>>) dst(%dma_wait3A_290 : memref<147456x768xf32, #tpu.memory_space<hbm>>)
      %mul3A_291 = arith.constant 8 : i32
      %mul3A_292 = arith.muli %add3A_23, %mul3A_291 : i32
      %add3A_293 = arith.constant 1 : i32
      %add3A_294 = arith.addi %mul3A_292, %add3A_293 : i32
      %dma_wait3A_295 = arith.constant 0 : i32
      %dma_wait3A_296 = tpu.memref_slice %arg5[%add3A_294, %dma_wait3A_295] : memref<64x72xi32, #tpu.memory_space<vmem>> -> memref<1x72xi32, #tpu.memory_space<vmem>>
      %dma_wait3A_297 = tpu.memref_squeeze %dma_wait3A_296 : memref<1x72xi32, #tpu.memory_space<vmem>> -> memref<72xi32, #tpu.memory_space<vmem>>
      %dma_wait3A_298 = arith.constant 0 : i32
      %dma_wait3A_299 = arith.constant 0 : i32
      %dma_wait3A_300 = tpu.memref_slice %arg4[%dma_wait3A_298, %dma_wait3A_299] : memref<147456x768xf32, #tpu.memory_space<hbm>> -> memref<147456x768xf32, #tpu.memory_space<hbm>>
      tpu.wait_indirect_dma semaphore(%arg11 : memref<!tpu.dma_semaphore, #tpu.memory_space<semaphore_mem>>) src(%arg7 : memref<72x768xf32, #tpu.memory_space<vmem>>) dst(%dma_wait3A_300 : memref<147456x768xf32, #tpu.memory_space<hbm>>)
      %mul3A_301 = arith.constant 8 : i32
      %mul3A_302 = arith.muli %add3A_23, %mul3A_301 : i32
      %add3A_303 = arith.constant 2 : i32
      %add3A_304 = arith.addi %mul3A_302, %add3A_303 : i32
      %dma_wait3A_305 = arith.constant 0 : i32
      %dma_wait3A_306 = tpu.memref_slice %arg5[%add3A_304, %dma_wait3A_305] : memref<64x72xi32, #tpu.memory_space<vmem>> -> memref<1x72xi32, #tpu.memory_space<vmem>>
      %dma_wait3A_307 = tpu.memref_squeeze %dma_wait3A_306 : memref<1x72xi32, #tpu.memory_space<vmem>> -> memref<72xi32, #tpu.memory_space<vmem>>
      %dma_wait3A_308 = arith.constant 0 : i32
      %dma_wait3A_309 = arith.constant 0 : i32
      %dma_wait3A_310 = tpu.memref_slice %arg4[%dma_wait3A_308, %dma_wait3A_309] : memref<147456x768xf32, #tpu.memory_space<hbm>> -> memref<147456x768xf32, #tpu.memory_space<hbm>>
      tpu.wait_indirect_dma semaphore(%arg11 : memref<!tpu.dma_semaphore, #tpu.memory_space<semaphore_mem>>) src(%arg7 : memref<72x768xf32, #tpu.memory_space<vmem>>) dst(%dma_wait3A_310 : memref<147456x768xf32, #tpu.memory_space<hbm>>)
      %mul3A_311 = arith.constant 8 : i32
      %mul3A_312 = arith.muli %add3A_23, %mul3A_311 : i32
      %add3A_313 = arith.constant 3 : i32
      %add3A_314 = arith.addi %mul3A_312, %add3A_313 : i32
      %dma_wait3A_315 = arith.constant 0 : i32
      %dma_wait3A_316 = tpu.memref_slice %arg5[%add3A_314, %dma_wait3A_315] : memref<64x72xi32, #tpu.memory_space<vmem>> -> memref<1x72xi32, #tpu.memory_space<vmem>>
      %dma_wait3A_317 = tpu.memref_squeeze %dma_wait3A_316 : memref<1x72xi32, #tpu.memory_space<vmem>> -> memref<72xi32, #tpu.memory_space<vmem>>
      %dma_wait3A_318 = arith.constant 0 : i32
      %dma_wait3A_319 = arith.constant 0 : i32
      %dma_wait3A_320 = tpu.memref_slice %arg4[%dma_wait3A_318, %dma_wait3A_319] : memref<147456x768xf32, #tpu.memory_space<hbm>> -> memref<147456x768xf32, #tpu.memory_space<hbm>>
      tpu.wait_indirect_dma semaphore(%arg11 : memref<!tpu.dma_semaphore, #tpu.memory_space<semaphore_mem>>) src(%arg7 : memref<72x768xf32, #tpu.memory_space<vmem>>) dst(%dma_wait3A_320 : memref<147456x768xf32, #tpu.memory_space<hbm>>)
      %mul3A_321 = arith.constant 8 : i32
      %mul3A_322 = arith.muli %add3A_23, %mul3A_321 : i32
      %add3A_323 = arith.constant 4 : i32
      %add3A_324 = arith.addi %mul3A_322, %add3A_323 : i32
      %dma_wait3A_325 = arith.constant 0 : i32
      %dma_wait3A_326 = tpu.memref_slice %arg5[%add3A_324, %dma_wait3A_325] : memref<64x72xi32, #tpu.memory_space<vmem>> -> memref<1x72xi32, #tpu.memory_space<vmem>>
      %dma_wait3A_327 = tpu.memref_squeeze %dma_wait3A_326 : memref<1x72xi32, #tpu.memory_space<vmem>> -> memref<72xi32, #tpu.memory_space<vmem>>
      %dma_wait3A_328 = arith.constant 0 : i32
      %dma_wait3A_329 = arith.constant 0 : i32
      %dma_wait3A_330 = tpu.memref_slice %arg4[%dma_wait3A_328, %dma_wait3A_329] : memref<147456x768xf32, #tpu.memory_space<hbm>> -> memref<147456x768xf32, #tpu.memory_space<hbm>>
      tpu.wait_indirect_dma semaphore(%arg11 : memref<!tpu.dma_semaphore, #tpu.memory_space<semaphore_mem>>) src(%arg7 : memref<72x768xf32, #tpu.memory_space<vmem>>) dst(%dma_wait3A_330 : memref<147456x768xf32, #tpu.memory_space<hbm>>)
      %mul3A_331 = arith.constant 8 : i32
      %mul3A_332 = arith.muli %add3A_23, %mul3A_331 : i32
      %add3A_333 = arith.constant 5 : i32
      %add3A_334 = arith.addi %mul3A_332, %add3A_333 : i32
      %dma_wait3A_335 = arith.constant 0 : i32
      %dma_wait3A_336 = tpu.memref_slice %arg5[%add3A_334, %dma_wait3A_335] : memref<64x72xi32, #tpu.memory_space<vmem>> -> memref<1x72xi32, #tpu.memory_space<vmem>>
      %dma_wait3A_337 = tpu.memref_squeeze %dma_wait3A_336 : memref<1x72xi32, #tpu.memory_space<vmem>> -> memref<72xi32, #tpu.memory_space<vmem>>
      %dma_wait3A_338 = arith.constant 0 : i32
      %dma_wait3A_339 = arith.constant 0 : i32
      %dma_wait3A_340 = tpu.memref_slice %arg4[%dma_wait3A_338, %dma_wait3A_339] : memref<147456x768xf32, #tpu.memory_space<hbm>> -> memref<147456x768xf32, #tpu.memory_space<hbm>>
      tpu.wait_indirect_dma semaphore(%arg11 : memref<!tpu.dma_semaphore, #tpu.memory_space<semaphore_mem>>) src(%arg7 : memref<72x768xf32, #tpu.memory_space<vmem>>) dst(%dma_wait3A_340 : memref<147456x768xf32, #tpu.memory_space<hbm>>)
      %mul3A_341 = arith.constant 8 : i32
      %mul3A_342 = arith.muli %add3A_23, %mul3A_341 : i32
      %add3A_343 = arith.constant 6 : i32
      %add3A_344 = arith.addi %mul3A_342, %add3A_343 : i32
      %dma_wait3A_345 = arith.constant 0 : i32
      %dma_wait3A_346 = tpu.memref_slice %arg5[%add3A_344, %dma_wait3A_345] : memref<64x72xi32, #tpu.memory_space<vmem>> -> memref<1x72xi32, #tpu.memory_space<vmem>>
      %dma_wait3A_347 = tpu.memref_squeeze %dma_wait3A_346 : memref<1x72xi32, #tpu.memory_space<vmem>> -> memref<72xi32, #tpu.memory_space<vmem>>
      %dma_wait3A_348 = arith.constant 0 : i32
      %dma_wait3A_349 = arith.constant 0 : i32
      %dma_wait3A_350 = tpu.memref_slice %arg4[%dma_wait3A_348, %dma_wait3A_349] : memref<147456x768xf32, #tpu.memory_space<hbm>> -> memref<147456x768xf32, #tpu.memory_space<hbm>>
      tpu.wait_indirect_dma semaphore(%arg11 : memref<!tpu.dma_semaphore, #tpu.memory_space<semaphore_mem>>) src(%arg7 : memref<72x768xf32, #tpu.memory_space<vmem>>) dst(%dma_wait3A_350 : memref<147456x768xf32, #tpu.memory_space<hbm>>)
      %mul3A_351 = arith.constant 8 : i32
      %mul3A_352 = arith.muli %add3A_23, %mul3A_351 : i32
      %add3A_353 = arith.constant 7 : i32
      %add3A_354 = arith.addi %mul3A_352, %add3A_353 : i32
      %dma_wait3A_355 = arith.constant 0 : i32
      %dma_wait3A_356 = tpu.memref_slice %arg5[%add3A_354, %dma_wait3A_355] : memref<64x72xi32, #tpu.memory_space<vmem>> -> memref<1x72xi32, #tpu.memory_space<vmem>>
      %dma_wait3A_357 = tpu.memref_squeeze %dma_wait3A_356 : memref<1x72xi32, #tpu.memory_space<vmem>> -> memref<72xi32, #tpu.memory_space<vmem>>
      %dma_wait3A_358 = arith.constant 0 : i32
      %dma_wait3A_359 = arith.constant 0 : i32
      %dma_wait3A_360 = tpu.memref_slice %arg4[%dma_wait3A_358, %dma_wait3A_359] : memref<147456x768xf32, #tpu.memory_space<hbm>> -> memref<147456x768xf32, #tpu.memory_space<hbm>>
      tpu.wait_indirect_dma semaphore(%arg11 : memref<!tpu.dma_semaphore, #tpu.memory_space<semaphore_mem>>) src(%arg7 : memref<72x768xf32, #tpu.memory_space<vmem>>) dst(%dma_wait3A_360 : memref<147456x768xf32, #tpu.memory_space<hbm>>)
      %add3A_361 = arith.constant 2 : i32
      %add3A_362 = arith.addi %add3A_23, %add3A_361 : i32
      %lt3A_363 = arith.constant 8 : i32
      %lt3A_364 = arith.cmpi slt, %add3A_362, %lt3A_363 : i32
      %convert_element_type3A_365 = arith.extui %lt3A_364 : i1 to i32
      %cond3A_366 = arith.constant 0 : i32
      %cond3A_367 = arith.cmpi ne, %convert_element_type3A_365, %cond3A_366 : i32
      scf.if %cond3A_367 {
        %add3A_368 = arith.constant 2 : i32
        %add3A_369 = arith.addi %add3A_23, %add3A_368 : i32
        %mul3A_370 = arith.constant 72 : i32
        %mul3A_371 = arith.muli %add3A_369, %mul3A_370 : i32
        %add3A_372 = arith.addi %multiple_of3A, %mul3A_371 : i32
        %dma_start3A_373 = arith.constant 0 : i32
        %dma_start3A_374 = tpu.memref_slice %arg2[%add3A_372, %dma_start3A_373] : memref<18432x768xf32, #tpu.memory_space<hbm>> -> memref<72x768xf32, #tpu.memory_space<hbm>>
        %dma_start3A_375 = arith.constant 0 : i32
        %dma_start3A_376 = tpu.memref_slice %arg2[%add3A_372, %dma_start3A_375] : memref<18432x768xf32, #tpu.memory_space<hbm>> -> memref<72x768xf32, #tpu.memory_space<hbm>>
        tpu.enqueue_dma source(%dma_start3A_376 : memref<72x768xf32, #tpu.memory_space<hbm>>) target(%arg7 : memref<72x768xf32, #tpu.memory_space<vmem>>) target_semaphore(%arg9 : memref<!tpu.dma_semaphore, #tpu.memory_space<semaphore_mem>>)
      } else {
      }
    }
    %scan3A_18 = arith.constant 4 : i32
    return
  }
}

</mosaic_0001>

<sc_bundles>
// kernel: kernel.3.cloned.1.call-start
scs
__scs_entry_jumppad:
0x0: {  	(pc) =	sbr.rel $0x88, $3  }
0x1: {  	(tag) =	ssettag $0x0;
	lr =	simm.s32 $0x1  }
0x2: {  	[smem:$0x3FA0] =	sst lr;
	_ =	strace $0xD0000000  }
0x3: {  	_ = 	snop  }
0x4: {  	_ = 	snop  }
0x5: {  	_ = 	snop  }
0x6: {  	_ = 	snop  }
0x7: {  	_ = 	snop  }
__scs_overlays_trampoline_lowered:
0x8: {  	[smem:$0x3FAF] =	sst s0  }
0x9: {  	[smem:$0x3FB0] =	sst s1  }
0xa: {  	[smem:$0x3FB1] =	sst s2  }
0xb: {  	[smem:$0x3FB2] =	sst s3  }
0xc: {  	[smem:$0x3FB3] =	sst s4  }
0xd: {  	[smem:$0x3FB4] =	sst s5  }
0xe: {  	[smem:$0x3FB5] =	sst s6  }
0xf: {  	[smem:$0x3FB6] =	sst s7  }
0x10: {  	[smem:$0x3FB7] =	sst s8  }
0x11: {  	[smem:$0x3FB8] =	sst s9;
	s0 =	simm.s32 @!p0 $0x0  }
0x12: {  	s1 =	sld [smem:$0x3F9E];
	s0 =	simm.s32 @p0 $0x1  }
0x13: {  	[smem:$0x3FB9] =	sst s0;
	s0 =	simm.s32 @!p1 $0x0  }
0x14: {  	s2 =	sld [smem:$0x3F9D];
	s0 =	simm.s32 @p1 $0x1  }
0x15: {  	[smem:$0x3FBA] =	sst s0;
	s0 =	simm.s32 @!p2 $0x0  }
0x16: {  	s3 =	sld [smem:$0x3FDB];
	s0 =	simm.s32 @p2 $0x1  }
0x17: {  	s4 =	simm.s32 $0x1BF5;
	[smem:$0x3FBC] =	sst s0  }
0x18: {  	s0 =	sld [smem:$0x3F9F];
	_ =	swait.ge [sflag:s4], $0x0  }
0x19: {  	s7 =	sld [smem:$0x3FA0]  }
0x1a: {  	s8 =	sadd.s32 $0xFFFFE003, lr  }
0x1b: {  	s9 =	sadd.s32 $0xFFFFFEF7, lr;
	s5 =	simm.s32 $0xFFFFFFFF;
	p2 =	slt.u32 s8, $0xFFFFF086  }
0x1c: {  	p1 =	slt.u32 s9, $0xF7A;
	s5 =	simm.s32 @!p2 $0x0  }
0x1d: {  	s5 =	simm.s32 @p1 $0x1;
	p0 =	seq.s32 s7, s2  }
0x1e: {  	s7 =	smul.u32 @!p0 $0xF7A, s2;
	p2 =	seq.s32 @!p0 s5, $0x0  }
0x1f: {  	s9 =	smul.u32 $0xF7A, s1;
	s8 =	simm.s32 @!p0 $0x1BF5;
	p2 =	por !p2, p0  }
0x20: {  	[sflag:s8] =	ssyncset.s32 @!p0 $0xFFFFF086;
	s6 =	sadd.s32 @!p0 s3, s7;
	s7 =	simm.s32 @!p0 $0x108  }
0x21: {  	s3 =	sadd.s32 s3, s9;
	s6 =	sadd.s32 @!p0 $0x88, s6;
	s7 =	simm.s32 @p2 $0x1082  }
0x22: {  	[simem:s7], [sflag:s8] =	dma.local @!p0 [hbm:s6], $0xF7A  }
0x23: {  	s9 =	sor.u32 $0xD0000000, s2;
	s6 =	simm.s32 $0x108;
	_ =	swait.ge @!p0 [sflag:s8], $0x0  }
0x24: {  	s3 =	sadd.s32 $0x88, s3;
	s6 =	simm.s32 @!p1 $0x1082;
	[sflag:s4] =	ssyncset.s32 $0xFFFFF086  }
0x25: {  	[simem:s6], [sflag:s4] =	dma.local [hbm:s3], $0xF7A  }
0x26: {  	[smem:$0x3FA0] =	sst s1;
	(tag) =	ssettag s2;
	_ =	strace s9  }
0x27: {  	s1 =	sld [smem:$0x3FB0]  }
0x28: {  	s2 =	sld [smem:$0x3FB1]  }
0x29: {  	s4 =	sld [smem:$0x3FB3]  }
0x2a: {  	p0 =	seq.s32 s5, $0x0;
	s5 =	sld [smem:$0x3FB4]  }
0x2b: {  	s6 =	sld [smem:$0x3FB5]  }
0x2c: {  	s7 =	sld [smem:$0x3FB6]  }
0x2d: {  	s3 =	simm.s32 $0x108;
	s8 =	sld [smem:$0x3FB7]  }
0x2e: {  	s3 =	simm.s32 @!p0 $0x1082;
	s9 =	sld [smem:$0x3FB8]  }
0x2f: {  	lr =	sadd.s32 s0, s3;
	s0 =	sld [smem:$0x3FAF]  }
0x30: {  	s3 =	sld [smem:$0x3FB2]  }
0x31: {  	[smem:$0x3FBB] =	sst s10  }
0x32: {  	s10 =	sld [smem:$0x3FB9];
	_ =	sdelay $0x3  }
0x33: {  	p0 =	seq.s32 s10, $0x1;
	s10 =	sld [smem:$0x3FBB];
	_ =	sdelay $0x3  }
0x34: {  	[smem:$0x3FBB] =	sst s10  }
0x35: {  	s10 =	sld [smem:$0x3FBA];
	_ =	sdelay $0x3  }
0x36: {  	p1 =	seq.s32 s10, $0x1;
	s10 =	sld [smem:$0x3FBB];
	_ =	sdelay $0x3  }
0x37: {  	[smem:$0x3FBB] =	sst s10  }
0x38: {  	s10 =	sld [smem:$0x3FBC]  }
0x39: {  	_ = 	snop;
	(pc) =	sbr.ind lr, $3  }
0x3a: {  	_ = 	snop  }
0x3b: {  	_ = 	snop  }
0x3c: {  	p2 =	seq.s32 s10, $0x1;
	s10 =	sld [smem:$0x3FBB]  }
0x3d: {  	_ =	shalt  }
0x3e: {  	_ =	shalt  }
0x3f: {  	_ =	shalt  }
0x40: {  	_ =	shalt  }
0x41: {  	_ =	shalt  }
0x42: {  	_ =	shalt  }
0x43: {  	_ =	shalt  }
0x44: {  	_ =	shalt  }
0x45: {  	_ =	shalt  }
0x46: {  	_ =	shalt  }
0x47: {  	_ =	shalt  }
0x48: {  	_ =	shalt  }
0x49: {  	_ =	shalt  }
0x4a: {  	_ =	shalt  }
0x4b: {  	_ =	shalt  }
0x4c: {  	_ =	shalt  }
0x4d: {  	_ =	shalt  }
0x4e: {  	_ =	shalt  }
0x4f: {  	_ =	shalt  }
0x50: {  	_ =	shalt  }
0x51: {  	_ =	shalt  }
0x52: {  	_ =	shalt  }
0x53: {  	_ =	shalt  }
0x54: {  	_ =	shalt  }
0x55: {  	_ =	shalt  }
0x56: {  	_ =	shalt  }
0x57: {  	_ =	shalt  }
0x58: {  	_ =	shalt  }
0x59: {  	_ =	shalt  }
0x5a: {  	_ =	shalt  }
0x5b: {  	_ =	shalt  }
0x5c: {  	_ =	shalt  }
0x5d: {  	_ =	shalt  }
0x5e: {  	_ =	shalt  }
0x5f: {  	_ =	shalt  }
0x60: {  	_ =	shalt  }
0x61: {  	_ =	shalt  }
0x62: {  	_ =	shalt  }
0x63: {  	_ =	shalt  }
0x64: {  	_ =	shalt  }
0x65: {  	_ =	shalt  }
0x66: {  	_ =	shalt  }
0x67: {  	_ =	shalt  }
0x68: {  	_ =	shalt  }
0x69: {  	_ =	shalt  }
0x6a: {  	_ =	shalt  }
0x6b: {  	_ =	shalt  }
0x6c: {  	_ =	shalt  }
0x6d: {  	_ =	shalt  }
0x6e: {  	_ =	shalt  }
0x6f: {  	_ =	shalt  }
0x70: {  	_ =	shalt  }
0x71: {  	_ =	shalt  }
0x72: {  	_ =	shalt  }
0x73: {  	_ =	shalt  }
0x74: {  	_ =	shalt  }
0x75: {  	_ =	shalt  }
0x76: {  	_ =	shalt  }
0x77: {  	_ =	shalt  }
0x78: {  	_ =	shalt  }
0x79: {  	_ =	shalt  }
0x7a: {  	_ =	shalt  }
0x7b: {  	_ =	shalt  }
0x7c: {  	_ =	shalt  }
0x7d: {  	_ =	shalt  }
0x7e: {  	_ =	shalt  }
0x7f: {  	_ =	shalt  }
0x80: {  	_ =	shalt  }
0x81: {  	_ =	shalt  }
0x82: {  	_ =	shalt  }
0x83: {  	_ =	shalt  }
0x84: {  	_ =	shalt  }
0x85: {  	_ =	shalt  }
0x86: {  	_ =	shalt  }
0x87: {  	_ =	shalt  }
.Lfunc_end0:
.L_simem_size_0:
called_computation_lowered:
.L_overlay_start_0:
0x88: {  	s2 =	sld [smem:$0x3FD9]  }
0x89: {  	s3 =	sld [smem:$0x3FFE];
	_ =	sdelay $0x1  }
0x8a: {  	s1 =	srdreg.scid  }
0x8b: {  	s0 =	sand.u32 $0x1, s1  }
0x8c: {  	s14 =	sshll.u32 s0, $0xA;
	s2 =	sadd.s32 s3, s2  }
0x8d: {  	s2 =	sadd.s32 s2, s14  }
0x8e: {  	[smem:$0x3FC7] =	sst s2  }
0x8f: {  	_ = 	snop  }
0x90: {  	s2 =	sld [smem:$0x3FD0];
	_ =	sdelay $0x2  }
0x91: {  	s4 =	simm.s32 $0xA;
	s5 =	simm.s32 $0x10;
	s15 =	sld [smem:$0x3FC9]  }
0x92: {  	[smem:s5], [sflag:s4] =	dma.local [hbm:s2], $0x1  }
0x93: {  	_ =	swait.eq [sflag:s4], $0x1  }
0x94: {  	[sflag:s4] =	ssyncset.done $0x0  }
0x95: {  	[sflag:s4] =	ssyncadd.s32 $0xFFFFFFFF  }
0x96: {  	s16 =	sld [smem:$0x10];
	(tm) =	ssettm $0x1  }
0x97: {  	s17 =	sld [smem:$0x3FFB];
	_ =	sdelay $0x3  }
0x98: {  	_ =	strace s17  }
0x99: {  	s4 =	sld [smem:$0x3FFC];
	_ =	sdelay $0x3  }
0x9a: {  	_ =	strace s4  }
0x9b: {  	s4 =	sld [smem:$0x3FFD];
	_ =	sdelay $0x3  }
0x9c: {  	_ =	strace s4  }
0x9d: {  	_ =	strace $0x8FFFFFFF  }
0x9e: {  	s18 =	sld [smem:$0x3FDB];
	_ =	sdelay $0x1  }
0x9f: {  	s19 =	simm.s32 $_scs_section_size  }
0xa0: {  	s6 =	simm.s32 $_size__tile_overlayer_lowered;
	s7 =	simm.s32 $_tile_overlayer_lowered  }
0xa1: {  	s22 =	simm.s32 $0x1BFF;
	s21 =	sshll.u32 s7, $0x1;
	s4 =	sadd.s32 s19, s18  }
0xa2: {  	s8 =	simm.s32 $0x0;
	s20 =	sshll.u32 s6, $0x1;
	s6 =	sadd.s32 s21, s4  }
0xa3: {  	[timem:s8], [sflag:s22] =	dma.local [hbm:s6], s20  }
0xa4: {  	_ =	swait.ge [sflag:s22], s20  }
0xa5: {  	s5 =	ssub.s32 $0x0, s20;
	[sflag:s22] =	ssyncset.done $0x0  }
0xa6: {  	[sflag:s22] =	ssyncadd.s32 s5;
	_ =	sdelay $0x1  }
0xa7: {  	s23 =	simm.s32 $0x1B8B  }
0xa8: {  	_ =	swait.ge [sflag:s23], $0x1  }
0xa9: {  	[sflag:s23] =	ssyncset.done $0x0  }
0xaa: {  	s25 =	simm.s32 $0x1B8E;
	s24 =	sld [smem:$0x3FFE];
	[sflag:s23] =	ssyncadd.s32 $0xFFFFFFFF  }
0xab: {  	s26 =	simm.s32 $execute0_lowered;
	[smem:$0x3FD2] =	sst s25  }
0xac: {  	s6 =	sshll.u32 s26, $0x1;
	_ =	strace $0x80000046;
	[dreg:$0x1] =	wrdreg $0xFFFFFFFF  }
0xad: {  	s28 =	simm.s32 $_size_execute0_lowered;
	s4 =	sadd.s32 s4, s6;
	[dreg:$0x0] =	wrdreg $0x0  }
0xae: {  	s6 =	sshll.u32 s28, $0x1;
	[dreg:$0x2] =	wrdreg s4  }
0xaf: {  	[dreg:$0x3] =	wrdreg s6  }
0xb0: {  	[dreg:$0x4] =	wrdreg $0xC0  }
0xb1: {  	_ =	task [dreg:s8], $0x5FFFF  }
0xb2: {  	[dreg:$0x1] =	wrdreg $0xFFFFFFFF  }
0xb3: {  	[dreg:$0x0] =	wrdreg $0x60  }
0xb4: {  	[dreg:$0x2] =	wrdreg s15  }
0xb5: {  	[dreg:$0x3] =	wrdreg s24  }
0xb6: {  	[dreg:$0x4] =	wrdreg s16  }
0xb7: {  	[dreg:$0x5] =	wrdreg $0x9  }
0xb8: {  	_ =	task.clear_ibuf [dreg:s8], $0x6FFFF;
	_ =	strace $0x90000046  }
0xb9: {  	s29 =	simm.s32 $0x9;
	_ =	strace $0x80000048  }
0xba: {  	_ =	swait.ge [sflag:s29], $0x1  }
0xbb: {  	[sflag:s29] =	ssyncadd.s32 $0xFFFFFFFF  }
0xbc: {  	_ =	strace $0x90000048  }
0xbd: {  	_ =	sfence  }
0xbe: {  	s30 =	sld [smem:$0x0];
	_ =	sdelay $0x2  }
0xbf: {  	s31 =	sshll.u32 s1, $0xD;
	s1 =	sshrl.u32 s1, $0x2  }
0xc0: {  	s3 =	sand.u32 $0x4000, s31;
	s1 =	sadd.s32 s1, s30  }
0xc1: {  	s0 =	sor.u32 s3, s0;
	s1 =	sshll.u32 s1, $0x11  }
0xc2: {  	s0 =	sor.u32 s1, s0  }
0xc3: {  	s0 =	sadd.s32 $0x8F2B, s0  }
0xc4: {  	[sflag:s0] =	ssyncadd.remote.s32 $0x1  }
0xc5: {  	_ =	sfence.sel $0xFFFF  }
0xc6: {  	[dreg:$0x0] =	wrdreg $0xFFFFFFFF;
	(pc) =	sbr.abs _section_cstart, $3  }
0xc7: {  	[dreg:$0x1] =	wrdreg $0xFFFFFFFF  }
0xc8: {  	_ =	task.clear_ibuf [dreg:s8], $0x2FFFF;
	_ =	strace $0x9FFFFFFF  }
0xc9: {  	(tm) =	ssettm $0x7FFFFFFF  }
tec
execute0_lowered:
.L_overlay_start_1:
0x0: {  	(tag) =	ssettag $0x1  }
0x1: {  	s10 =	rddreg [dreg:$0x0]  }
0x2: {  	s0 =	srdreg.scid;
	s1 =	rddreg [dreg:$0x1]  }
0x3: {  	s6 =	stileid.u32;
	s3 =	rddreg [dreg:$0x2];
	s4 =	simm.s32 $0x0  }
0x4: {  	s0 =	sand.u32 $0x1, s0;
	s2 =	sshll.u32 s6, $0x1;
	s6 =	smul.u32 $0x480, s6  }
0x5: {  	s2 =	sor.u32 s0, s2;
	s7 =	ssub.s32 $0x2, s0;
	s0 =	smul.u32 $0x240, s0  }
0x6: {  	[smem:$0x7FF] =	sst s4;
	s5 =	smul.u32 $0x240, s2;
	s2 =	sshll.u32 s2, $0xA  }
0x7: {  	_ =	strace $0x80000047;
	s25 =	sshrl.u32 s7, $0x1;
	s1 =	sadd.s32 s2, s1  }
0x8: {  	s0 =	sadd.s32 s0, s6;
	s2 =	ssub.s32 s7, s25;
	s8 =	sshrl.u32 s5, $0x3  }
0x9: {  	s5 =	sadd.s32 $0x48, s5;
	s28 =	sadd.s32 $0xD8, s0;
	s1 =	sadd.s32 $0x600, s1  }
0xa: {  	s2 =	smax.u32 s2, $0x1;
	s26 =	smul.u32 $0x300, s8;
	s5 =	sshrl.u32 s5, $0x3  }
0xb: {  	s0 =	sadd.s32 $0x90, s0;
	[dreg:$0x4] =	wrdreg s1;
	s5 =	smul.u32 $0x300, s5  }
.Ltmp0:
0xc: {  	s29 =	sshrl.u32 s28, $0x3;
	[dreg:$0x7] =	wrdreg s2;
	(pc) =	sbr.rel .LBB2_1-.Ltmp0, $4  }
0xd: {  	[dreg:$0x9] =	wrdreg s0;
	s31 =	smul.u32 $0x300, s29;
	s30 =	sadd.s32 s10, s26  }
0xe: {  	v2 =	vlaneseq.u32;
	s9 =	sadd.s32 $0x200, s3;
	[dreg:$0x5] =	wrdreg s30;
	s5 =	sadd.s32 s10, s5  }
0xf: {  	vm0 =	vmmov $0xffff;
	v1 =	vshrl.u32 v2, $0x3;
	s8 =	sadd.s32 $0x100, s3;
	s1 =	sadd.s32 s31, s10;
	[dreg:$0x6] =	wrdreg s5  }
0x10: {  	v0 =	vand.u32 $0x7, v2;
	v2 =	vor.u32 $0x8, v2;
	v1 =	vmul.u32 $0x8, v1;
	s0 =	simm.s32 $0xF800;
	[dreg:$0x8] =	wrdreg s1;
	s1 =	simm.s32 $0x0  }
.LBB2_4:
0x11: {  	s1 =	rddreg [dreg:$0xa]  }
0x12: {  	s14 =	rddreg [dreg:$0x7];
	s1 =	sadd.s32 $0x1, s1  }
0x13: {  	p0 =	sne.s32 s1, s14  }
.Ltmp1:
0x14: {  	_ = 	snop;
	(pc) =	sbr.rel @!p0 .LBB2_5-.Ltmp1, $1  }
0x15: {  	_ =	sdelay $0x3  }
.LBB2_1:
0x16: {  	[dreg:$0xa] =	wrdreg s1  }
0x17: {  	s14 =	rddreg [dreg:$0x4];
	s25 =	simm.s32 $0x5;
	s30 =	simm.s32 $0x0  }
0x18: {  	[tilespmem:s4], [sflag:$0x5] =	stream.linear.gather [hbm4b:s14+s4], $0x2000, $0x38;
	[tilespmem:$0x1D000] =	vst v63  }
0x19: {  	_ =	swait.ge [sflag:s25], $0x2000;
	[dreg:$0xb] =	wrdreg s30  }
0x1a: {  	s26 =	rddreg [dreg:$0x5]  }
0x1b: {  	[sflag:s25] =	ssyncset.done $0x0;
	s29 =	rddreg [dreg:$0x6]  }
0x1c: {  	s28 =	simm.s32 $0x2000;
	s31 =	rddreg [dreg:$0x8];
	[sflag:s25] =	ssyncadd.s32 $0xFFFFE000  }
0x1d: {  	[tilespmem:s28], [sflag:$0x1] =	stream.linear.gather [hbm4b:s26+s4], $0xD800, $0x38;
	[tilespmem:$0x1D000] =	vst v63  }
0x1e: {  	s14 =	simm.s32 $0x400;
	[dreg:$0xc] =	wrdreg s31  }
0x1f: {  	[tilespmem:s0], [sflag:$0x2] =	stream.linear.gather [hbm4b:s29+s4], $0xD800, $0x38;
	[tilespmem:$0x1D000] =	vst v63  }
.LBB2_2:
0x20: {  	s21 =	simm.s32 $0x1  }
0x21: {  	_ =	swait.ge [sflag:s21], $0xD800  }
0x22: {  	[sflag:s21] =	ssyncset.done $0x0  }
0x23: {  	[sflag:s21] =	ssyncadd.s32 $0xFFFF2800  }
0x24: {  	v3 =	vld [tilespmem:s14+$0xFFFFFC00];
	_ =	sdelay $0x4  }
0x25: {  	v4 =	vshrl.u32 v3, $0x3  }
0x26: {  	v4 =	vmul.u32 $0x30, v4  }
0x27: {  	v3 =	vand.u32 $0x7, v3  }
0x28: {  	v3 =	vor.u32 v3, v4  }
0x29: {  	v4 =	vperm.xlane v3, v0;
	_ =	sdelay $0x1  }
0x2a: {  	v4 =	vadd.s32 v1, v4;
	_ =	sdelay $0x3  }
0x2b: {  	s0 =	simm.s32 $0x2000;
	v3 =	vperm.xlane v3, v2  }
0x2c: {  	[hbm4b:s3+s4] =	stream.indirect_vreg.scatter [tilespmem:s0], [sflag:$0x3], $0x80, v4, vm0, $0xb8;
	[tilespmem:$0x1D000] =	vst v63  }
0x2d: {  	s28 =	simm.s32 $0x2800;
	v3 =	vadd.s32 v1, v3  }
0x2e: {  	[hbm4b:s8+s4] =	stream.indirect_vreg.scatter [tilespmem:s28], [sflag:$0x3], $0x80, v4, vm0, $0xb8;
	[tilespmem:$0x1D000] =	vst v63  }
0x2f: {  	s29 =	simm.s32 $0x3000  }
0x30: {  	[hbm4b:s9+s4] =	stream.indirect_vreg.scatter [tilespmem:s29], [sflag:$0x3], $0x80, v4, vm0, $0xb8;
	[tilespmem:$0x1D000] =	vst v63  }
0x31: {  	s30 =	simm.s32 $0x3800  }
0x32: {  	[hbm4b:s3+s4] =	stream.indirect_vreg.scatter [tilespmem:s30], [sflag:$0x3], $0x80, v3, vm0, $0xb8;
	[tilespmem:$0x1D000] =	vst v63  }
0x33: {  	s31 =	simm.s32 $0x4000  }
0x34: {  	[hbm4b:s8+s4] =	stream.indirect_vreg.scatter [tilespmem:s31], [sflag:$0x3], $0x80, v3, vm0, $0xb8;
	[tilespmem:$0x1D000] =	vst v63  }
0x35: {  	s1 =	simm.s32 $0x4800  }
0x36: {  	[hbm4b:s9+s4] =	stream.indirect_vreg.scatter [tilespmem:s1], [sflag:$0x3], $0x80, v3, vm0, $0xb8;
	[tilespmem:$0x1D000] =	vst v63  }
0x37: {  	v3 =	vld [tilespmem:s14+$0xFFFFFC10];
	_ =	sdelay $0x4  }
0x38: {  	v41 =	vshrl.u32 v3, $0x3  }
0x39: {  	v4 =	vmul.u32 $0x30, v41  }
0x3a: {  	v3 =	vand.u32 $0x7, v3  }
0x3b: {  	v3 =	vor.u32 v3, v4  }
0x3c: {  	v4 =	vperm.xlane v3, v0;
	_ =	sdelay $0x1  }
0x3d: {  	v4 =	vadd.s32 v1, v4;
	_ =	sdelay $0x3  }
0x3e: {  	s2 =	simm.s32 $0x5000;
	v3 =	vperm.xlane v3, v2  }
0x3f: {  	[hbm4b:s3+s4] =	stream.indirect_vreg.scatter [tilespmem:s2], [sflag:$0x3], $0x80, v4, vm0, $0xb8;
	[tilespmem:$0x1D000] =	vst v63  }
0x40: {  	s5 =	simm.s32 $0x5800;
	v3 =	vadd.s32 v1, v3  }
0x41: {  	[hbm4b:s8+s4] =	stream.indirect_vreg.scatter [tilespmem:s5], [sflag:$0x3], $0x80, v4, vm0, $0xb8;
	[tilespmem:$0x1D000] =	vst v63  }
0x42: {  	s6 =	simm.s32 $0x6000  }
0x43: {  	[hbm4b:s9+s4] =	stream.indirect_vreg.scatter [tilespmem:s6], [sflag:$0x3], $0x80, v4, vm0, $0xb8;
	[tilespmem:$0x1D000] =	vst v63  }
0x44: {  	s10 =	simm.s32 $0x6800  }
0x45: {  	[hbm4b:s3+s4] =	stream.indirect_vreg.scatter [tilespmem:s10], [sflag:$0x3], $0x80, v3, vm0, $0xb8;
	[tilespmem:$0x1D000] =	vst v63  }
0x46: {  	s12 =	simm.s32 $0x7000  }
0x47: {  	[hbm4b:s8+s4] =	stream.indirect_vreg.scatter [tilespmem:s12], [sflag:$0x3], $0x80, v3, vm0, $0xb8;
	[tilespmem:$0x1D000] =	vst v63  }
0x48: {  	s16 =	simm.s32 $0x7800  }
0x49: {  	[hbm4b:s9+s4] =	stream.indirect_vreg.scatter [tilespmem:s16], [sflag:$0x3], $0x80, v3, vm0, $0xb8;
	[tilespmem:$0x1D000] =	vst v63  }
0x4a: {  	v3 =	vld [tilespmem:s14+$0xFFFFFC20];
	_ =	sdelay $0x4  }
0x4b: {  	v42 =	vshrl.u32 v3, $0x3  }
0x4c: {  	v4 =	vmul.u32 $0x30, v42  }
0x4d: {  	v3 =	vand.u32 $0x7, v3  }
0x4e: {  	v3 =	vor.u32 v3, v4  }
0x4f: {  	v4 =	vperm.xlane v3, v0;
	_ =	sdelay $0x1  }
0x50: {  	v4 =	vadd.s32 v1, v4;
	_ =	sdelay $0x3  }
0x51: {  	s17 =	simm.s32 $0x8000;
	v3 =	vperm.xlane v3, v2  }
0x52: {  	[hbm4b:s3+s4] =	stream.indirect_vreg.scatter [tilespmem:s17], [sflag:$0x3], $0x80, v4, vm0, $0xb8;
	[tilespmem:$0x1D000] =	vst v63  }
0x53: {  	s20 =	simm.s32 $0x8800;
	v3 =	vadd.s32 v1, v3  }
0x54: {  	[hbm4b:s8+s4] =	stream.indirect_vreg.scatter [tilespmem:s20], [sflag:$0x3], $0x80, v4, vm0, $0xb8;
	[tilespmem:$0x1D000] =	vst v63  }
0x55: {  	s21 =	simm.s32 $0x9000  }
0x56: {  	[hbm4b:s9+s4] =	stream.indirect_vreg.scatter [tilespmem:s21], [sflag:$0x3], $0x80, v4, vm0, $0xb8;
	[tilespmem:$0x1D000] =	vst v63  }
0x57: {  	s22 =	simm.s32 $0x9800  }
0x58: {  	[hbm4b:s3+s4] =	stream.indirect_vreg.scatter [tilespmem:s22], [sflag:$0x3], $0x80, v3, vm0, $0xb8;
	[tilespmem:$0x1D000] =	vst v63  }
0x59: {  	s23 =	simm.s32 $0xA000  }
0x5a: {  	[hbm4b:s8+s4] =	stream.indirect_vreg.scatter [tilespmem:s23], [sflag:$0x3], $0x80, v3, vm0, $0xb8;
	[tilespmem:$0x1D000] =	vst v63  }
0x5b: {  	s24 =	simm.s32 $0xA800  }
0x5c: {  	[hbm4b:s9+s4] =	stream.indirect_vreg.scatter [tilespmem:s24], [sflag:$0x3], $0x80, v3, vm0, $0xb8;
	[tilespmem:$0x1D000] =	vst v63  }
0x5d: {  	v3 =	vld [tilespmem:s14+$0xFFFFFC30];
	_ =	sdelay $0x4  }
0x5e: {  	v43 =	vshrl.u32 v3, $0x3  }
0x5f: {  	v4 =	vmul.u32 $0x30, v43  }
0x60: {  	v3 =	vand.u32 $0x7, v3  }
0x61: {  	v3 =	vor.u32 v3, v4  }
0x62: {  	v4 =	vperm.xlane v3, v0;
	_ =	sdelay $0x1  }
0x63: {  	v4 =	vadd.s32 v1, v4;
	_ =	sdelay $0x3  }
0x64: {  	s25 =	simm.s32 $0xB000;
	v3 =	vperm.xlane v3, v2  }
0x65: {  	[hbm4b:s3+s4] =	stream.indirect_vreg.scatter [tilespmem:s25], [sflag:$0x3], $0x80, v4, vm0, $0xb8;
	[tilespmem:$0x1D000] =	vst v63  }
0x66: {  	s30 =	simm.s32 $0xB800;
	v3 =	vadd.s32 v1, v3  }
0x67: {  	[hbm4b:s8+s4] =	stream.indirect_vreg.scatter [tilespmem:s30], [sflag:$0x3], $0x80, v4, vm0, $0xb8;
	[tilespmem:$0x1D000] =	vst v63  }
0x68: {  	s31 =	simm.s32 $0xC000  }
0x69: {  	[hbm4b:s9+s4] =	stream.indirect_vreg.scatter [tilespmem:s31], [sflag:$0x3], $0x80, v4, vm0, $0xb8;
	[tilespmem:$0x1D000] =	vst v63  }
0x6a: {  	s5 =	simm.s32 $0xC800  }
0x6b: {  	[hbm4b:s3+s4] =	stream.indirect_vreg.scatter [tilespmem:s5], [sflag:$0x3], $0x80, v3, vm0, $0xb8;
	[tilespmem:$0x1D000] =	vst v63  }
0x6c: {  	s21 =	simm.s32 $0xD000  }
0x6d: {  	[hbm4b:s8+s4] =	stream.indirect_vreg.scatter [tilespmem:s21], [sflag:$0x3], $0x80, v3, vm0, $0xb8;
	[tilespmem:$0x1D000] =	vst v63  }
0x6e: {  	s22 =	simm.s32 $0xD800  }
0x6f: {  	[hbm4b:s9+s4] =	stream.indirect_vreg.scatter [tilespmem:s22], [sflag:$0x3], $0x80, v3, vm0, $0xb8;
	[tilespmem:$0x1D000] =	vst v63  }
0x70: {  	v3 =	vld.msk [tilespmem:s14+$0xFFFFFC40], $0xff;
	_ =	sdelay $0x4  }
0x71: {  	v44 =	vshrl.u32 v3, $0x3  }
0x72: {  	v4 =	vmul.u32 $0x30, v44  }
0x73: {  	v3 =	vand.u32 $0x7, v3  }
0x74: {  	v3 =	vor.u32 v3, v4  }
0x75: {  	v3 =	vperm.xlane v3, v0;
	_ =	sdelay $0x1  }
0x76: {  	v3 =	vadd.s32 v1, v3;
	_ =	sdelay $0x3  }
0x77: {  	s23 =	simm.s32 $0xE000  }
0x78: {  	[hbm4b:s3+s4] =	stream.indirect_vreg.scatter [tilespmem:s23], [sflag:$0x3], $0x80, v3, vm0, $0xb8;
	[tilespmem:$0x1D000] =	vst v63  }
0x79: {  	s24 =	simm.s32 $0xE800  }
0x7a: {  	[hbm4b:s8+s4] =	stream.indirect_vreg.scatter [tilespmem:s24], [sflag:$0x3], $0x80, v3, vm0, $0xb8;
	[tilespmem:$0x1D000] =	vst v63  }
0x7b: {  	s25 =	simm.s32 $0xF000  }
0x7c: {  	[hbm4b:s9+s4] =	stream.indirect_vreg.scatter [tilespmem:s25], [sflag:$0x3], $0x80, v3, vm0, $0xb8;
	[tilespmem:$0x1D000] =	vst v63  }
0x7d: {  	v3 =	vld [tilespmem:s14+$0xFFFFFC80];
	_ =	sdelay $0x4  }
0x7e: {  	v45 =	vshrl.u32 v3, $0x3  }
0x7f: {  	v4 =	vmul.u32 $0x30, v45  }
0x80: {  	v3 =	vand.u32 $0x7, v3  }
0x81: {  	v3 =	vor.u32 v3, v4  }
0x82: {  	v4 =	vperm.xlane v3, v0;
	_ =	sdelay $0x1  }
0x83: {  	v4 =	vadd.s32 v1, v4;
	_ =	sdelay $0x3  }
0x84: {  	s7 =	simm.s32 $0x2000;
	v3 =	vperm.xlane v3, v2  }
0x85: {  	[hbm4b:s3+s4] =	stream.indirect_vreg.scatter [tilespmem:s7], [sflag:$0x3], $0x80, v4, vm0, $0xb8;
	[tilespmem:$0x1D000] =	vst v63  }
0x86: {  	s11 =	simm.s32 $0x2800;
	v3 =	vadd.s32 v1, v3  }
0x87: {  	[hbm4b:s8+s4] =	stream.indirect_vreg.scatter [tilespmem:s11], [sflag:$0x3], $0x80, v4, vm0, $0xb8;
	[tilespmem:$0x1D000] =	vst v63  }
0x88: {  	s13 =	simm.s32 $0x3000  }
0x89: {  	[hbm4b:s9+s4] =	stream.indirect_vreg.scatter [tilespmem:s13], [sflag:$0x3], $0x80, v4, vm0, $0xb8;
	[tilespmem:$0x1D000] =	vst v63  }
0x8a: {  	s18 =	simm.s32 $0x3800  }
0x8b: {  	[hbm4b:s3+s4] =	stream.indirect_vreg.scatter [tilespmem:s18], [sflag:$0x3], $0x80, v3, vm0, $0xb8;
	[tilespmem:$0x1D000] =	vst v63  }
0x8c: {  	s19 =	simm.s32 $0x4000  }
0x8d: {  	[hbm4b:s8+s4] =	stream.indirect_vreg.scatter [tilespmem:s19], [sflag:$0x3], $0x80, v3, vm0, $0xb8;
	[tilespmem:$0x1D000] =	vst v63  }
0x8e: {  	s26 =	simm.s32 $0x4800  }
0x8f: {  	[hbm4b:s9+s4] =	stream.indirect_vreg.scatter [tilespmem:s26], [sflag:$0x3], $0x80, v3, vm0, $0xb8;
	[tilespmem:$0x1D000] =	vst v63  }
0x90: {  	v3 =	vld [tilespmem:s14+$0xFFFFFC90];
	_ =	sdelay $0x4  }
0x91: {  	v46 =	vshrl.u32 v3, $0x3  }
0x92: {  	v4 =	vmul.u32 $0x30, v46  }
0x93: {  	v3 =	vand.u32 $0x7, v3  }
0x94: {  	v3 =	vor.u32 v3, v4  }
0x95: {  	v4 =	vperm.xlane v3, v0;
	_ =	sdelay $0x1  }
0x96: {  	v4 =	vadd.s32 v1, v4;
	_ =	sdelay $0x3  }
0x97: {  	s28 =	simm.s32 $0x5000;
	v3 =	vperm.xlane v3, v2  }
0x98: {  	[hbm4b:s3+s4] =	stream.indirect_vreg.scatter [tilespmem:s28], [sflag:$0x3], $0x80, v4, vm0, $0xb8;
	[tilespmem:$0x1D000] =	vst v63  }
0x99: {  	s29 =	simm.s32 $0x5800;
	v3 =	vadd.s32 v1, v3  }
0x9a: {  	[hbm4b:s8+s4] =	stream.indirect_vreg.scatter [tilespmem:s29], [sflag:$0x3], $0x80, v4, vm0, $0xb8;
	[tilespmem:$0x1D000] =	vst v63  }
0x9b: {  	s15 =	simm.s32 $0x6000  }
0x9c: {  	[hbm4b:s9+s4] =	stream.indirect_vreg.scatter [tilespmem:s15], [sflag:$0x3], $0x80, v4, vm0, $0xb8;
	[tilespmem:$0x1D000] =	vst v63  }
0x9d: {  	s1 =	simm.s32 $0x6800  }
0x9e: {  	[hbm4b:s3+s4] =	stream.indirect_vreg.scatter [tilespmem:s1], [sflag:$0x3], $0x80, v3, vm0, $0xb8;
	[tilespmem:$0x1D000] =	vst v63  }
0x9f: {  	s1 =	simm.s32 $0x7000  }
0xa0: {  	[hbm4b:s8+s4] =	stream.indirect_vreg.scatter [tilespmem:s1], [sflag:$0x3], $0x80, v3, vm0, $0xb8;
	[tilespmem:$0x1D000] =	vst v63  }
0xa1: {  	s10 =	simm.s32 $0x7800  }
0xa2: {  	[hbm4b:s9+s4] =	stream.indirect_vreg.scatter [tilespmem:s10], [sflag:$0x3], $0x80, v3, vm0, $0xb8;
	[tilespmem:$0x1D000] =	vst v63  }
0xa3: {  	v3 =	vld [tilespmem:s14+$0xFFFFFCA0];
	_ =	sdelay $0x4  }
0xa4: {  	v47 =	vshrl.u32 v3, $0x3  }
0xa5: {  	v4 =	vmul.u32 $0x30, v47  }
0xa6: {  	v3 =	vand.u32 $0x7, v3  }
0xa7: {  	v3 =	vor.u32 v3, v4  }
0xa8: {  	v4 =	vperm.xlane v3, v0;
	_ =	sdelay $0x1  }
0xa9: {  	v4 =	vadd.s32 v1, v4;
	_ =	sdelay $0x3  }
0xaa: {  	s15 =	simm.s32 $0x8000;
	v3 =	vperm.xlane v3, v2  }
0xab: {  	[hbm4b:s3+s4] =	stream.indirect_vreg.scatter [tilespmem:s15], [sflag:$0x3], $0x80, v4, vm0, $0xb8;
	[tilespmem:$0x1D000] =	vst v63  }
0xac: {  	s6 =	simm.s32 $0x8800;
	v3 =	vadd.s32 v1, v3  }
0xad: {  	[hbm4b:s8+s4] =	stream.indirect_vreg.scatter [tilespmem:s6], [sflag:$0x3], $0x80, v4, vm0, $0xb8;
	[tilespmem:$0x1D000] =	vst v63  }
0xae: {  	s16 =	simm.s32 $0x9000  }
0xaf: {  	[hbm4b:s9+s4] =	stream.indirect_vreg.scatter [tilespmem:s16], [sflag:$0x3], $0x80, v4, vm0, $0xb8;
	[tilespmem:$0x1D000] =	vst v63  }
0xb0: {  	s17 =	simm.s32 $0x9800  }
0xb1: {  	[hbm4b:s3+s4] =	stream.indirect_vreg.scatter [tilespmem:s17], [sflag:$0x3], $0x80, v3, vm0, $0xb8;
	[tilespmem:$0x1D000] =	vst v63  }
0xb2: {  	s12 =	simm.s32 $0xA000  }
0xb3: {  	[hbm4b:s8+s4] =	stream.indirect_vreg.scatter [tilespmem:s12], [sflag:$0x3], $0x80, v3, vm0, $0xb8;
	[tilespmem:$0x1D000] =	vst v63  }
0xb4: {  	s2 =	simm.s32 $0xA800  }
0xb5: {  	[hbm4b:s9+s4] =	stream.indirect_vreg.scatter [tilespmem:s2], [sflag:$0x3], $0x80, v3, vm0, $0xb8;
	[tilespmem:$0x1D000] =	vst v63  }
0xb6: {  	v3 =	vld [tilespmem:s14+$0xFFFFFCB0];
	_ =	sdelay $0x4  }
0xb7: {  	v48 =	vshrl.u32 v3, $0x3  }
0xb8: {  	v4 =	vmul.u32 $0x30, v48  }
0xb9: {  	v3 =	vand.u32 $0x7, v3  }
0xba: {  	v3 =	vor.u32 v3, v4  }
0xbb: {  	v4 =	vperm.xlane v3, v0;
	_ =	sdelay $0x1  }
0xbc: {  	v4 =	vadd.s32 v1, v4;
	_ =	sdelay $0x3  }
0xbd: {  	s20 =	simm.s32 $0xB000;
	v3 =	vperm.xlane v3, v2  }
0xbe: {  	[hbm4b:s3+s4] =	stream.indirect_vreg.scatter [tilespmem:s20], [sflag:$0x3], $0x80, v4, vm0, $0xb8;
	[tilespmem:$0x1D000] =	vst v63  }
0xbf: {  	s16 =	simm.s32 $0xB800;
	v3 =	vadd.s32 v1, v3  }
0xc0: {  	[hbm4b:s8+s4] =	stream.indirect_vreg.scatter [tilespmem:s16], [sflag:$0x3], $0x80, v4, vm0, $0xb8;
	[tilespmem:$0x1D000] =	vst v63  }
0xc1: {  	s17 =	simm.s32 $0xC000  }
0xc2: {  	[hbm4b:s9+s4] =	stream.indirect_vreg.scatter [tilespmem:s17], [sflag:$0x3], $0x80, v4, vm0, $0xb8;
	[tilespmem:$0x1D000] =	vst v63  }
0xc3: {  	s20 =	simm.s32 $0xC800  }
0xc4: {  	[hbm4b:s3+s4] =	stream.indirect_vreg.scatter [tilespmem:s20], [sflag:$0x3], $0x80, v3, vm0, $0xb8;
	[tilespmem:$0x1D000] =	vst v63  }
0xc5: {  	s30 =	simm.s32 $0xD000  }
0xc6: {  	[hbm4b:s8+s4] =	stream.indirect_vreg.scatter [tilespmem:s30], [sflag:$0x3], $0x80, v3, vm0, $0xb8;
	[tilespmem:$0x1D000] =	vst v63  }
0xc7: {  	s30 =	simm.s32 $0xD800  }
0xc8: {  	[hbm4b:s9+s4] =	stream.indirect_vreg.scatter [tilespmem:s30], [sflag:$0x3], $0x80, v3, vm0, $0xb8;
	[tilespmem:$0x1D000] =	vst v63  }
0xc9: {  	v3 =	vld.msk [tilespmem:s14+$0xFFFFFCC0], $0xff;
	_ =	sdelay $0x4  }
0xca: {  	v49 =	vshrl.u32 v3, $0x3  }
0xcb: {  	v4 =	vmul.u32 $0x30, v49  }
0xcc: {  	v3 =	vand.u32 $0x7, v3  }
0xcd: {  	v3 =	vor.u32 v3, v4  }
0xce: {  	v3 =	vperm.xlane v3, v0;
	_ =	sdelay $0x1  }
0xcf: {  	v3 =	vadd.s32 v1, v3;
	_ =	sdelay $0x3  }
0xd0: {  	s0 =	simm.s32 $0xE000  }
0xd1: {  	[hbm4b:s3+s4] =	stream.indirect_vreg.scatter [tilespmem:s0], [sflag:$0x3], $0x80, v3, vm0, $0xb8;
	[tilespmem:$0x1D000] =	vst v63  }
0xd2: {  	s2 =	simm.s32 $0xE800  }
0xd3: {  	[hbm4b:s8+s4] =	stream.indirect_vreg.scatter [tilespmem:s2], [sflag:$0x3], $0x80, v3, vm0, $0xb8;
	[tilespmem:$0x1D000] =	vst v63  }
0xd4: {  	s5 =	simm.s32 $0xF000  }
0xd5: {  	[hbm4b:s9+s4] =	stream.indirect_vreg.scatter [tilespmem:s5], [sflag:$0x3], $0x80, v3, vm0, $0xb8;
	[tilespmem:$0x1D000] =	vst v63  }
0xd6: {  	v3 =	vld [tilespmem:s14+$0xFFFFFD00];
	_ =	sdelay $0x4  }
0xd7: {  	v50 =	vshrl.u32 v3, $0x3  }
0xd8: {  	v4 =	vmul.u32 $0x30, v50  }
0xd9: {  	v3 =	vand.u32 $0x7, v3  }
0xda: {  	v3 =	vor.u32 v3, v4  }
0xdb: {  	v4 =	vperm.xlane v3, v0;
	_ =	sdelay $0x1  }
0xdc: {  	v4 =	vadd.s32 v1, v4;
	_ =	sdelay $0x3  }
0xdd: {  	s31 =	simm.s32 $0x2000;
	v3 =	vperm.xlane v3, v2  }
0xde: {  	[hbm4b:s3+s4] =	stream.indirect_vreg.scatter [tilespmem:s31], [sflag:$0x3], $0x80, v4, vm0, $0xb8;
	[tilespmem:$0x1D000] =	vst v63  }
0xdf: {  	s22 =	simm.s32 $0x2800;
	v3 =	vadd.s32 v1, v3  }
0xe0: {  	[hbm4b:s8+s4] =	stream.indirect_vreg.scatter [tilespmem:s22], [sflag:$0x3], $0x80, v4, vm0, $0xb8;
	[tilespmem:$0x1D000] =	vst v63  }
0xe1: {  	s23 =	simm.s32 $0x3000  }
0xe2: {  	[hbm4b:s9+s4] =	stream.indirect_vreg.scatter [tilespmem:s23], [sflag:$0x3], $0x80, v4, vm0, $0xb8;
	[tilespmem:$0x1D000] =	vst v63  }
0xe3: {  	s24 =	simm.s32 $0x3800  }
0xe4: {  	[hbm4b:s3+s4] =	stream.indirect_vreg.scatter [tilespmem:s24], [sflag:$0x3], $0x80, v3, vm0, $0xb8;
	[tilespmem:$0x1D000] =	vst v63  }
0xe5: {  	s25 =	simm.s32 $0x4000  }
0xe6: {  	[hbm4b:s8+s4] =	stream.indirect_vreg.scatter [tilespmem:s25], [sflag:$0x3], $0x80, v3, vm0, $0xb8;
	[tilespmem:$0x1D000] =	vst v63  }
0xe7: {  	s26 =	simm.s32 $0x4800  }
0xe8: {  	[hbm4b:s9+s4] =	stream.indirect_vreg.scatter [tilespmem:s26], [sflag:$0x3], $0x80, v3, vm0, $0xb8;
	[tilespmem:$0x1D000] =	vst v63  }
0xe9: {  	v3 =	vld [tilespmem:s14+$0xFFFFFD10];
	_ =	sdelay $0x4  }
0xea: {  	v51 =	vshrl.u32 v3, $0x3  }
0xeb: {  	v4 =	vmul.u32 $0x30, v51  }
0xec: {  	v3 =	vand.u32 $0x7, v3  }
0xed: {  	v3 =	vor.u32 v3, v4  }
0xee: {  	v4 =	vperm.xlane v3, v0;
	_ =	sdelay $0x1  }
0xef: {  	v4 =	vadd.s32 v1, v4;
	_ =	sdelay $0x3  }
0xf0: {  	s28 =	simm.s32 $0x5000;
	v3 =	vperm.xlane v3, v2  }
0xf1: {  	[hbm4b:s3+s4] =	stream.indirect_vreg.scatter [tilespmem:s28], [sflag:$0x3], $0x80, v4, vm0, $0xb8;
	[tilespmem:$0x1D000] =	vst v63  }
0xf2: {  	s29 =	simm.s32 $0x5800;
	v3 =	vadd.s32 v1, v3  }
0xf3: {  	[hbm4b:s8+s4] =	stream.indirect_vreg.scatter [tilespmem:s29], [sflag:$0x3], $0x80, v4, vm0, $0xb8;
	[tilespmem:$0x1D000] =	vst v63  }
0xf4: {  	s7 =	simm.s32 $0x6000  }
0xf5: {  	[hbm4b:s9+s4] =	stream.indirect_vreg.scatter [tilespmem:s7], [sflag:$0x3], $0x80, v4, vm0, $0xb8;
	[tilespmem:$0x1D000] =	vst v63  }
0xf6: {  	s22 =	simm.s32 $0x6800  }
0xf7: {  	[hbm4b:s3+s4] =	stream.indirect_vreg.scatter [tilespmem:s22], [sflag:$0x3], $0x80, v3, vm0, $0xb8;
	[tilespmem:$0x1D000] =	vst v63  }
0xf8: {  	_ = 	snop  }
0xf9: {  	[hbm4b:s8+s4] =	stream.indirect_vreg.scatter [tilespmem:s1], [sflag:$0x3], $0x80, v3, vm0, $0xb8;
	[tilespmem:$0x1D000] =	vst v63  }
0xfa: {  	s18 =	simm.s32 $0x7800  }
0xfb: {  	[hbm4b:s9+s4] =	stream.indirect_vreg.scatter [tilespmem:s18], [sflag:$0x3], $0x80, v3, vm0, $0xb8;
	[tilespmem:$0x1D000] =	vst v63  }
0xfc: {  	v3 =	vld [tilespmem:s14+$0xFFFFFD20];
	_ =	sdelay $0x4  }
0xfd: {  	v52 =	vshrl.u32 v3, $0x3  }
0xfe: {  	v4 =	vmul.u32 $0x30, v52  }
0xff: {  	v3 =	vand.u32 $0x7, v3  }
0x100: {  	v3 =	vor.u32 v3, v4  }
0x101: {  	v4 =	vperm.xlane v3, v0;
	_ =	sdelay $0x1  }
0x102: {  	v4 =	vadd.s32 v1, v4;
	_ =	sdelay $0x3  }
0x103: {  	v3 =	vperm.xlane v3, v2  }
0x104: {  	[hbm4b:s3+s4] =	stream.indirect_vreg.scatter [tilespmem:s15], [sflag:$0x3], $0x80, v4, vm0, $0xb8;
	[tilespmem:$0x1D000] =	vst v63  }
0x105: {  	s19 =	simm.s32 $0x8800;
	v3 =	vadd.s32 v1, v3  }
0x106: {  	[hbm4b:s8+s4] =	stream.indirect_vreg.scatter [tilespmem:s19], [sflag:$0x3], $0x80, v4, vm0, $0xb8;
	[tilespmem:$0x1D000] =	vst v63  }
0x107: {  	s10 =	simm.s32 $0x9000  }
0x108: {  	[hbm4b:s9+s4] =	stream.indirect_vreg.scatter [tilespmem:s10], [sflag:$0x3], $0x80, v4, vm0, $0xb8;
	[tilespmem:$0x1D000] =	vst v63  }
0x109: {  	s11 =	simm.s32 $0x9800  }
0x10a: {  	[hbm4b:s3+s4] =	stream.indirect_vreg.scatter [tilespmem:s11], [sflag:$0x3], $0x80, v3, vm0, $0xb8;
	[tilespmem:$0x1D000] =	vst v63  }
0x10b: {  	s13 =	simm.s32 $0xA000  }
0x10c: {  	[hbm4b:s8+s4] =	stream.indirect_vreg.scatter [tilespmem:s13], [sflag:$0x3], $0x80, v3, vm0, $0xb8;
	[tilespmem:$0x1D000] =	vst v63  }
0x10d: {  	s6 =	simm.s32 $0xA800  }
0x10e: {  	[hbm4b:s9+s4] =	stream.indirect_vreg.scatter [tilespmem:s6], [sflag:$0x3], $0x80, v3, vm0, $0xb8;
	[tilespmem:$0x1D000] =	vst v63  }
0x10f: {  	v3 =	vld [tilespmem:s14+$0xFFFFFD30];
	_ =	sdelay $0x4  }
0x110: {  	v53 =	vshrl.u32 v3, $0x3  }
0x111: {  	v4 =	vmul.u32 $0x30, v53  }
0x112: {  	v3 =	vand.u32 $0x7, v3  }
0x113: {  	v3 =	vor.u32 v3, v4  }
0x114: {  	v4 =	vperm.xlane v3, v0;
	_ =	sdelay $0x1  }
0x115: {  	v4 =	vadd.s32 v1, v4;
	_ =	sdelay $0x3  }
0x116: {  	s12 =	simm.s32 $0xB000;
	v3 =	vperm.xlane v3, v2  }
0x117: {  	[hbm4b:s3+s4] =	stream.indirect_vreg.scatter [tilespmem:s12], [sflag:$0x3], $0x80, v4, vm0, $0xb8;
	[tilespmem:$0x1D000] =	vst v63  }
0x118: {  	v3 =	vadd.s32 v1, v3  }
0x119: {  	[hbm4b:s8+s4] =	stream.indirect_vreg.scatter [tilespmem:s16], [sflag:$0x3], $0x80, v4, vm0, $0xb8;
	[tilespmem:$0x1D000] =	vst v63  }
0x11a: {  	_ = 	snop  }
0x11b: {  	[hbm4b:s9+s4] =	stream.indirect_vreg.scatter [tilespmem:s17], [sflag:$0x3], $0x80, v4, vm0, $0xb8;
	[tilespmem:$0x1D000] =	vst v63  }
0x11c: {  	_ = 	snop  }
0x11d: {  	[hbm4b:s3+s4] =	stream.indirect_vreg.scatter [tilespmem:s20], [sflag:$0x3], $0x80, v3, vm0, $0xb8;
	[tilespmem:$0x1D000] =	vst v63  }
0x11e: {  	s23 =	simm.s32 $0xD000  }
0x11f: {  	[hbm4b:s8+s4] =	stream.indirect_vreg.scatter [tilespmem:s23], [sflag:$0x3], $0x80, v3, vm0, $0xb8;
	[tilespmem:$0x1D000] =	vst v63  }
0x120: {  	_ = 	snop  }
0x121: {  	[hbm4b:s9+s4] =	stream.indirect_vreg.scatter [tilespmem:s30], [sflag:$0x3], $0x80, v3, vm0, $0xb8;
	[tilespmem:$0x1D000] =	vst v63  }
0x122: {  	v3 =	vld.msk [tilespmem:s14+$0xFFFFFD40], $0xff;
	_ =	sdelay $0x4  }
0x123: {  	v54 =	vshrl.u32 v3, $0x3  }
0x124: {  	v4 =	vmul.u32 $0x30, v54  }
0x125: {  	v3 =	vand.u32 $0x7, v3  }
0x126: {  	v3 =	vor.u32 v3, v4  }
0x127: {  	v3 =	vperm.xlane v3, v0;
	_ =	sdelay $0x1  }
0x128: {  	v3 =	vadd.s32 v1, v3;
	_ =	sdelay $0x4  }
0x129: {  	[hbm4b:s3+s4] =	stream.indirect_vreg.scatter [tilespmem:s0], [sflag:$0x3], $0x80, v3, vm0, $0xb8;
	[tilespmem:$0x1D000] =	vst v63  }
0x12a: {  	_ = 	snop  }
0x12b: {  	[hbm4b:s8+s4] =	stream.indirect_vreg.scatter [tilespmem:s2], [sflag:$0x3], $0x80, v3, vm0, $0xb8;
	[tilespmem:$0x1D000] =	vst v63  }
0x12c: {  	s5 =	simm.s32 $0xF000  }
0x12d: {  	[hbm4b:s9+s4] =	stream.indirect_vreg.scatter [tilespmem:s5], [sflag:$0x3], $0x80, v3, vm0, $0xb8;
	[tilespmem:$0x1D000] =	vst v63  }
0x12e: {  	v3 =	vld [tilespmem:s14+$0xFFFFFD80];
	_ =	sdelay $0x4  }
0x12f: {  	v55 =	vshrl.u32 v3, $0x3  }
0x130: {  	v4 =	vmul.u32 $0x30, v55  }
0x131: {  	v3 =	vand.u32 $0x7, v3  }
0x132: {  	v3 =	vor.u32 v3, v4  }
0x133: {  	v4 =	vperm.xlane v3, v0;
	_ =	sdelay $0x1  }
0x134: {  	v4 =	vadd.s32 v1, v4;
	_ =	sdelay $0x3  }
0x135: {  	s31 =	simm.s32 $0x2000;
	v3 =	vperm.xlane v3, v2  }
0x136: {  	[hbm4b:s3+s4] =	stream.indirect_vreg.scatter [tilespmem:s31], [sflag:$0x3], $0x80, v4, vm0, $0xb8;
	[tilespmem:$0x1D000] =	vst v63  }
0x137: {  	v3 =	vadd.s32 v1, v3;
	s31 =	simm.s32 $0x2800  }
0x138: {  	[hbm4b:s8+s4] =	stream.indirect_vreg.scatter [tilespmem:s31], [sflag:$0x3], $0x80, v4, vm0, $0xb8;
	[tilespmem:$0x1D000] =	vst v63  }
0x139: {  	s31 =	simm.s32 $0x3000  }
0x13a: {  	[hbm4b:s9+s4] =	stream.indirect_vreg.scatter [tilespmem:s31], [sflag:$0x3], $0x80, v4, vm0, $0xb8;
	[tilespmem:$0x1D000] =	vst v63  }
0x13b: {  	s24 =	simm.s32 $0x3800  }
0x13c: {  	[hbm4b:s3+s4] =	stream.indirect_vreg.scatter [tilespmem:s24], [sflag:$0x3], $0x80, v3, vm0, $0xb8;
	[tilespmem:$0x1D000] =	vst v63  }
0x13d: {  	s24 =	simm.s32 $0x4000  }
0x13e: {  	[hbm4b:s8+s4] =	stream.indirect_vreg.scatter [tilespmem:s24], [sflag:$0x3], $0x80, v3, vm0, $0xb8;
	[tilespmem:$0x1D000] =	vst v63  }
0x13f: {  	s26 =	simm.s32 $0x4800  }
0x140: {  	[hbm4b:s9+s4] =	stream.indirect_vreg.scatter [tilespmem:s26], [sflag:$0x3], $0x80, v3, vm0, $0xb8;
	[tilespmem:$0x1D000] =	vst v63  }
0x141: {  	v3 =	vld [tilespmem:s14+$0xFFFFFD90];
	_ =	sdelay $0x4  }
0x142: {  	v56 =	vshrl.u32 v3, $0x3  }
0x143: {  	v4 =	vmul.u32 $0x30, v56  }
0x144: {  	v3 =	vand.u32 $0x7, v3  }
0x145: {  	v3 =	vor.u32 v3, v4  }
0x146: {  	v4 =	vperm.xlane v3, v0;
	_ =	sdelay $0x1  }
0x147: {  	v4 =	vadd.s32 v1, v4;
	_ =	sdelay $0x3  }
0x148: {  	s28 =	simm.s32 $0x5000;
	v3 =	vperm.xlane v3, v2  }
0x149: {  	[hbm4b:s3+s4] =	stream.indirect_vreg.scatter [tilespmem:s28], [sflag:$0x3], $0x80, v4, vm0, $0xb8;
	[tilespmem:$0x1D000] =	vst v63  }
0x14a: {  	s29 =	simm.s32 $0x5800;
	v3 =	vadd.s32 v1, v3  }
0x14b: {  	[hbm4b:s8+s4] =	stream.indirect_vreg.scatter [tilespmem:s29], [sflag:$0x3], $0x80, v4, vm0, $0xb8;
	[tilespmem:$0x1D000] =	vst v63  }
0x14c: {  	s21 =	simm.s32 $0x6000  }
0x14d: {  	[hbm4b:s9+s4] =	stream.indirect_vreg.scatter [tilespmem:s21], [sflag:$0x3], $0x80, v4, vm0, $0xb8;
	[tilespmem:$0x1D000] =	vst v63  }
0x14e: {  	s7 =	simm.s32 $0x6800  }
0x14f: {  	[hbm4b:s3+s4] =	stream.indirect_vreg.scatter [tilespmem:s7], [sflag:$0x3], $0x80, v3, vm0, $0xb8;
	[tilespmem:$0x1D000] =	vst v63  }
0x150: {  	s25 =	simm.s32 $0x7000  }
0x151: {  	[hbm4b:s8+s4] =	stream.indirect_vreg.scatter [tilespmem:s25], [sflag:$0x3], $0x80, v3, vm0, $0xb8;
	[tilespmem:$0x1D000] =	vst v63  }
0x152: {  	s1 =	simm.s32 $0x7800  }
0x153: {  	[hbm4b:s9+s4] =	stream.indirect_vreg.scatter [tilespmem:s1], [sflag:$0x3], $0x80, v3, vm0, $0xb8;
	[tilespmem:$0x1D000] =	vst v63  }
0x154: {  	v3 =	vld [tilespmem:s14+$0xFFFFFDA0];
	_ =	sdelay $0x4  }
0x155: {  	v57 =	vshrl.u32 v3, $0x3  }
0x156: {  	v4 =	vmul.u32 $0x30, v57  }
0x157: {  	v3 =	vand.u32 $0x7, v3  }
0x158: {  	v3 =	vor.u32 v3, v4  }
0x159: {  	v4 =	vperm.xlane v3, v0;
	_ =	sdelay $0x1  }
0x15a: {  	v4 =	vadd.s32 v1, v4;
	_ =	sdelay $0x3  }
0x15b: {  	s22 =	simm.s32 $0x8000;
	v3 =	vperm.xlane v3, v2  }
0x15c: {  	[hbm4b:s3+s4] =	stream.indirect_vreg.scatter [tilespmem:s22], [sflag:$0x3], $0x80, v4, vm0, $0xb8;
	[tilespmem:$0x1D000] =	vst v63  }
0x15d: {  	s19 =	simm.s32 $0x8800;
	v3 =	vadd.s32 v1, v3  }
0x15e: {  	[hbm4b:s8+s4] =	stream.indirect_vreg.scatter [tilespmem:s19], [sflag:$0x3], $0x80, v4, vm0, $0xb8;
	[tilespmem:$0x1D000] =	vst v63  }
0x15f: {  	s18 =	simm.s32 $0x9000  }
0x160: {  	[hbm4b:s9+s4] =	stream.indirect_vreg.scatter [tilespmem:s18], [sflag:$0x3], $0x80, v4, vm0, $0xb8;
	[tilespmem:$0x1D000] =	vst v63  }
0x161: {  	s11 =	simm.s32 $0x9800  }
0x162: {  	[hbm4b:s3+s4] =	stream.indirect_vreg.scatter [tilespmem:s11], [sflag:$0x3], $0x80, v3, vm0, $0xb8;
	[tilespmem:$0x1D000] =	vst v63  }
0x163: {  	s13 =	simm.s32 $0xA000  }
0x164: {  	[hbm4b:s8+s4] =	stream.indirect_vreg.scatter [tilespmem:s13], [sflag:$0x3], $0x80, v3, vm0, $0xb8;
	[tilespmem:$0x1D000] =	vst v63  }
0x165: {  	s15 =	simm.s32 $0xA800  }
0x166: {  	[hbm4b:s9+s4] =	stream.indirect_vreg.scatter [tilespmem:s15], [sflag:$0x3], $0x80, v3, vm0, $0xb8;
	[tilespmem:$0x1D000] =	vst v63  }
0x167: {  	v3 =	vld [tilespmem:s14+$0xFFFFFDB0];
	_ =	sdelay $0x4  }
0x168: {  	v58 =	vshrl.u32 v3, $0x3  }
0x169: {  	v4 =	vmul.u32 $0x30, v58  }
0x16a: {  	v3 =	vand.u32 $0x7, v3  }
0x16b: {  	v3 =	vor.u32 v3, v4  }
0x16c: {  	v4 =	vperm.xlane v3, v0;
	_ =	sdelay $0x1  }
0x16d: {  	v4 =	vadd.s32 v1, v4;
	_ =	sdelay $0x3  }
0x16e: {  	s10 =	simm.s32 $0xB000;
	v3 =	vperm.xlane v3, v2  }
0x16f: {  	[hbm4b:s3+s4] =	stream.indirect_vreg.scatter [tilespmem:s10], [sflag:$0x3], $0x80, v4, vm0, $0xb8;
	[tilespmem:$0x1D000] =	vst v63  }
0x170: {  	s12 =	simm.s32 $0xB800;
	v3 =	vadd.s32 v1, v3  }
0x171: {  	[hbm4b:s8+s4] =	stream.indirect_vreg.scatter [tilespmem:s12], [sflag:$0x3], $0x80, v4, vm0, $0xb8;
	[tilespmem:$0x1D000] =	vst v63  }
0x172: {  	s16 =	simm.s32 $0xC000  }
0x173: {  	[hbm4b:s9+s4] =	stream.indirect_vreg.scatter [tilespmem:s16], [sflag:$0x3], $0x80, v4, vm0, $0xb8;
	[tilespmem:$0x1D000] =	vst v63  }
0x174: {  	s17 =	simm.s32 $0xC800  }
0x175: {  	[hbm4b:s3+s4] =	stream.indirect_vreg.scatter [tilespmem:s17], [sflag:$0x3], $0x80, v3, vm0, $0xb8;
	[tilespmem:$0x1D000] =	vst v63  }
0x176: {  	s23 =	simm.s32 $0xD000  }
0x177: {  	[hbm4b:s8+s4] =	stream.indirect_vreg.scatter [tilespmem:s23], [sflag:$0x3], $0x80, v3, vm0, $0xb8;
	[tilespmem:$0x1D000] =	vst v63  }
0x178: {  	s20 =	simm.s32 $0xD800  }
0x179: {  	[hbm4b:s9+s4] =	stream.indirect_vreg.scatter [tilespmem:s20], [sflag:$0x3], $0x80, v3, vm0, $0xb8;
	[tilespmem:$0x1D000] =	vst v63  }
0x17a: {  	v3 =	vld.msk [tilespmem:s14+$0xFFFFFDC0], $0xff;
	_ =	sdelay $0x4  }
0x17b: {  	v59 =	vshrl.u32 v3, $0x3  }
0x17c: {  	v4 =	vmul.u32 $0x30, v59  }
0x17d: {  	v3 =	vand.u32 $0x7, v3  }
0x17e: {  	v3 =	vor.u32 v3, v4  }
0x17f: {  	v3 =	vperm.xlane v3, v0;
	_ =	sdelay $0x1  }
0x180: {  	v3 =	vadd.s32 v1, v3;
	_ =	sdelay $0x3  }
0x181: {  	s6 =	simm.s32 $0xE000  }
0x182: {  	[hbm4b:s3+s4] =	stream.indirect_vreg.scatter [tilespmem:s6], [sflag:$0x3], $0x80, v3, vm0, $0xb8;
	[tilespmem:$0x1D000] =	vst v63  }
0x183: {  	s0 =	simm.s32 $0xE800  }
0x184: {  	[hbm4b:s8+s4] =	stream.indirect_vreg.scatter [tilespmem:s0], [sflag:$0x3], $0x80, v3, vm0, $0xb8;
	[tilespmem:$0x1D000] =	vst v63  }
0x185: {  	s2 =	simm.s32 $0xF000  }
0x186: {  	[hbm4b:s9+s4] =	stream.indirect_vreg.scatter [tilespmem:s2], [sflag:$0x3], $0x80, v3, vm0, $0xb8;
	[tilespmem:$0x1D000] =	vst v63  }
0x187: {  	v3 =	vld [tilespmem:s14+$0xFFFFFE00];
	_ =	sdelay $0x4  }
0x188: {  	v60 =	vshrl.u32 v3, $0x3  }
0x189: {  	v4 =	vmul.u32 $0x30, v60  }
0x18a: {  	v3 =	vand.u32 $0x7, v3  }
0x18b: {  	v3 =	vor.u32 v3, v4  }
0x18c: {  	v4 =	vperm.xlane v3, v0;
	_ =	sdelay $0x1  }
0x18d: {  	v4 =	vadd.s32 v1, v4;
	_ =	sdelay $0x3  }
0x18e: {  	s5 =	simm.s32 $0x2000;
	v3 =	vperm.xlane v3, v2  }
0x18f: {  	[hbm4b:s3+s4] =	stream.indirect_vreg.scatter [tilespmem:s5], [sflag:$0x3], $0x80, v4, vm0, $0xb8;
	[tilespmem:$0x1D000] =	vst v63  }
0x190: {  	s30 =	simm.s32 $0x2800;
	v3 =	vadd.s32 v1, v3  }
0x191: {  	[hbm4b:s8+s4] =	stream.indirect_vreg.scatter [tilespmem:s30], [sflag:$0x3], $0x80, v4, vm0, $0xb8;
	[tilespmem:$0x1D000] =	vst v63  }
0x192: {  	s31 =	simm.s32 $0x3000  }
0x193: {  	[hbm4b:s9+s4] =	stream.indirect_vreg.scatter [tilespmem:s31], [sflag:$0x3], $0x80, v4, vm0, $0xb8;
	[tilespmem:$0x1D000] =	vst v63  }
0x194: {  	s25 =	simm.s32 $0x3800  }
0x195: {  	[hbm4b:s3+s4] =	stream.indirect_vreg.scatter [tilespmem:s25], [sflag:$0x3], $0x80, v3, vm0, $0xb8;
	[tilespmem:$0x1D000] =	vst v63  }
0x196: {  	s31 =	simm.s32 $0x4000  }
0x197: {  	[hbm4b:s8+s4] =	stream.indirect_vreg.scatter [tilespmem:s31], [sflag:$0x3], $0x80, v3, vm0, $0xb8;
	[tilespmem:$0x1D000] =	vst v63  }
0x198: {  	s31 =	simm.s32 $0x4800  }
0x199: {  	[hbm4b:s9+s4] =	stream.indirect_vreg.scatter [tilespmem:s31], [sflag:$0x3], $0x80, v3, vm0, $0xb8;
	[tilespmem:$0x1D000] =	vst v63  }
0x19a: {  	v3 =	vld [tilespmem:s14+$0xFFFFFE10];
	_ =	sdelay $0x4  }
0x19b: {  	v61 =	vshrl.u32 v3, $0x3  }
0x19c: {  	v4 =	vmul.u32 $0x30, v61  }
0x19d: {  	v3 =	vand.u32 $0x7, v3  }
0x19e: {  	v3 =	vor.u32 v3, v4  }
0x19f: {  	v4 =	vperm.xlane v3, v0;
	_ =	sdelay $0x1  }
0x1a0: {  	v4 =	vadd.s32 v1, v4;
	_ =	sdelay $0x3  }
0x1a1: {  	s28 =	simm.s32 $0x5000;
	v3 =	vperm.xlane v3, v2  }
0x1a2: {  	[hbm4b:s3+s4] =	stream.indirect_vreg.scatter [tilespmem:s28], [sflag:$0x3], $0x80, v4, vm0, $0xb8;
	[tilespmem:$0x1D000] =	vst v63  }
0x1a3: {  	s31 =	simm.s32 $0x5800;
	v3 =	vadd.s32 v1, v3  }
0x1a4: {  	[hbm4b:s8+s4] =	stream.indirect_vreg.scatter [tilespmem:s31], [sflag:$0x3], $0x80, v4, vm0, $0xb8;
	[tilespmem:$0x1D000] =	vst v63  }
0x1a5: {  	s21 =	simm.s32 $0x6000  }
0x1a6: {  	[hbm4b:s9+s4] =	stream.indirect_vreg.scatter [tilespmem:s21], [sflag:$0x3], $0x80, v4, vm0, $0xb8;
	[tilespmem:$0x1D000] =	vst v63  }
0x1a7: {  	s26 =	simm.s32 $0x6800  }
0x1a8: {  	[hbm4b:s3+s4] =	stream.indirect_vreg.scatter [tilespmem:s26], [sflag:$0x3], $0x80, v3, vm0, $0xb8;
	[tilespmem:$0x1D000] =	vst v63  }
0x1a9: {  	s29 =	simm.s32 $0x7000  }
0x1aa: {  	[hbm4b:s8+s4] =	stream.indirect_vreg.scatter [tilespmem:s29], [sflag:$0x3], $0x80, v3, vm0, $0xb8;
	[tilespmem:$0x1D000] =	vst v63  }
0x1ab: {  	s7 =	simm.s32 $0x7800  }
0x1ac: {  	[hbm4b:s9+s4] =	stream.indirect_vreg.scatter [tilespmem:s7], [sflag:$0x3], $0x80, v3, vm0, $0xb8;
	[tilespmem:$0x1D000] =	vst v63  }
0x1ad: {  	v3 =	vld [tilespmem:s14+$0xFFFFFE20];
	_ =	sdelay $0x4  }
0x1ae: {  	v62 =	vshrl.u32 v3, $0x3  }
0x1af: {  	v4 =	vmul.u32 $0x30, v62  }
0x1b0: {  	v3 =	vand.u32 $0x7, v3  }
0x1b1: {  	v3 =	vor.u32 v3, v4  }
0x1b2: {  	v4 =	vperm.xlane v3, v0;
	_ =	sdelay $0x1  }
0x1b3: {  	v4 =	vadd.s32 v1, v4;
	_ =	sdelay $0x3  }
0x1b4: {  	s1 =	simm.s32 $0x8000;
	v3 =	vperm.xlane v3, v2  }
0x1b5: {  	[hbm4b:s3+s4] =	stream.indirect_vreg.scatter [tilespmem:s1], [sflag:$0x3], $0x80, v4, vm0, $0xb8;
	[tilespmem:$0x1D000] =	vst v63  }
0x1b6: {  	s24 =	simm.s32 $0x8800;
	v3 =	vadd.s32 v1, v3  }
0x1b7: {  	[hbm4b:s8+s4] =	stream.indirect_vreg.scatter [tilespmem:s24], [sflag:$0x3], $0x80, v4, vm0, $0xb8;
	[tilespmem:$0x1D000] =	vst v63  }
0x1b8: {  	s18 =	simm.s32 $0x9000  }
0x1b9: {  	[hbm4b:s9+s4] =	stream.indirect_vreg.scatter [tilespmem:s18], [sflag:$0x3], $0x80, v4, vm0, $0xb8;
	[tilespmem:$0x1D000] =	vst v63  }
0x1ba: {  	s11 =	simm.s32 $0x9800  }
0x1bb: {  	[hbm4b:s3+s4] =	stream.indirect_vreg.scatter [tilespmem:s11], [sflag:$0x3], $0x80, v3, vm0, $0xb8;
	[tilespmem:$0x1D000] =	vst v63  }
0x1bc: {  	s19 =	simm.s32 $0xA000  }
0x1bd: {  	[hbm4b:s8+s4] =	stream.indirect_vreg.scatter [tilespmem:s19], [sflag:$0x3], $0x80, v3, vm0, $0xb8;
	[tilespmem:$0x1D000] =	vst v63  }
0x1be: {  	s13 =	simm.s32 $0xA800  }
0x1bf: {  	[hbm4b:s9+s4] =	stream.indirect_vreg.scatter [tilespmem:s13], [sflag:$0x3], $0x80, v3, vm0, $0xb8;
	[tilespmem:$0x1D000] =	vst v63  }
0x1c0: {  	v3 =	vld [tilespmem:s14+$0xFFFFFE30];
	_ =	sdelay $0x4  }
0x1c1: {  	v63 =	vshrl.u32 v3, $0x3  }
0x1c2: {  	v4 =	vmul.u32 $0x30, v63  }
0x1c3: {  	v3 =	vand.u32 $0x7, v3  }
0x1c4: {  	v3 =	vor.u32 v3, v4  }
0x1c5: {  	v4 =	vperm.xlane v3, v0;
	_ =	sdelay $0x1  }
0x1c6: {  	v4 =	vadd.s32 v1, v4;
	_ =	sdelay $0x3  }
0x1c7: {  	s10 =	simm.s32 $0xB000;
	v3 =	vperm.xlane v3, v2  }
0x1c8: {  	[hbm4b:s3+s4] =	stream.indirect_vreg.scatter [tilespmem:s10], [sflag:$0x3], $0x80, v4, vm0, $0xb8;
	[tilespmem:$0x1D000] =	vst v63  }
0x1c9: {  	s15 =	simm.s32 $0xB800;
	v3 =	vadd.s32 v1, v3  }
0x1ca: {  	[hbm4b:s8+s4] =	stream.indirect_vreg.scatter [tilespmem:s15], [sflag:$0x3], $0x80, v4, vm0, $0xb8;
	[tilespmem:$0x1D000] =	vst v63  }
0x1cb: {  	s12 =	simm.s32 $0xC000  }
0x1cc: {  	[hbm4b:s9+s4] =	stream.indirect_vreg.scatter [tilespmem:s12], [sflag:$0x3], $0x80, v4, vm0, $0xb8;
	[tilespmem:$0x1D000] =	vst v63  }
0x1cd: {  	s16 =	simm.s32 $0xC800  }
0x1ce: {  	[hbm4b:s3+s4] =	stream.indirect_vreg.scatter [tilespmem:s16], [sflag:$0x3], $0x80, v3, vm0, $0xb8;
	[tilespmem:$0x1D000] =	vst v63  }
0x1cf: {  	s22 =	simm.s32 $0xD000  }
0x1d0: {  	[hbm4b:s8+s4] =	stream.indirect_vreg.scatter [tilespmem:s22], [sflag:$0x3], $0x80, v3, vm0, $0xb8;
	[tilespmem:$0x1D000] =	vst v63  }
0x1d1: {  	s17 =	simm.s32 $0xD800  }
0x1d2: {  	[hbm4b:s9+s4] =	stream.indirect_vreg.scatter [tilespmem:s17], [sflag:$0x3], $0x80, v3, vm0, $0xb8;
	[tilespmem:$0x1D000] =	vst v63  }
0x1d3: {  	v3 =	vld.msk [tilespmem:s14+$0xFFFFFE40], $0xff;
	_ =	sdelay $0x4  }
0x1d4: {  	v8 =	vshrl.u32 v3, $0x3  }
0x1d5: {  	v4 =	vmul.u32 $0x30, v8  }
0x1d6: {  	v3 =	vand.u32 $0x7, v3  }
0x1d7: {  	v3 =	vor.u32 v3, v4  }
0x1d8: {  	v3 =	vperm.xlane v3, v0;
	_ =	sdelay $0x1  }
0x1d9: {  	v3 =	vadd.s32 v1, v3;
	_ =	sdelay $0x3  }
0x1da: {  	s6 =	simm.s32 $0xE000  }
0x1db: {  	[hbm4b:s3+s4] =	stream.indirect_vreg.scatter [tilespmem:s6], [sflag:$0x3], $0x80, v3, vm0, $0xb8;
	[tilespmem:$0x1D000] =	vst v63  }
0x1dc: {  	s0 =	simm.s32 $0xE800  }
0x1dd: {  	[hbm4b:s8+s4] =	stream.indirect_vreg.scatter [tilespmem:s0], [sflag:$0x3], $0x80, v3, vm0, $0xb8;
	[tilespmem:$0x1D000] =	vst v63  }
0x1de: {  	s2 =	simm.s32 $0xF000  }
0x1df: {  	[hbm4b:s9+s4] =	stream.indirect_vreg.scatter [tilespmem:s2], [sflag:$0x3], $0x80, v3, vm0, $0xb8;
	[tilespmem:$0x1D000] =	vst v63  }
0x1e0: {  	v3 =	vld [tilespmem:s14+$0xFFFFFE80];
	_ =	sdelay $0x4  }
0x1e1: {  	v9 =	vshrl.u32 v3, $0x3  }
0x1e2: {  	v4 =	vmul.u32 $0x30, v9  }
0x1e3: {  	v3 =	vand.u32 $0x7, v3  }
0x1e4: {  	v3 =	vor.u32 v3, v4  }
0x1e5: {  	v4 =	vperm.xlane v3, v0;
	_ =	sdelay $0x1  }
0x1e6: {  	v4 =	vadd.s32 v1, v4;
	_ =	sdelay $0x3  }
0x1e7: {  	s5 =	simm.s32 $0x2000;
	v3 =	vperm.xlane v3, v2  }
0x1e8: {  	[hbm4b:s3+s4] =	stream.indirect_vreg.scatter [tilespmem:s5], [sflag:$0x3], $0x80, v4, vm0, $0xb8;
	[tilespmem:$0x1D000] =	vst v63  }
0x1e9: {  	s20 =	simm.s32 $0x2800;
	v3 =	vadd.s32 v1, v3  }
0x1ea: {  	[hbm4b:s8+s4] =	stream.indirect_vreg.scatter [tilespmem:s20], [sflag:$0x3], $0x80, v4, vm0, $0xb8;
	[tilespmem:$0x1D000] =	vst v63  }
0x1eb: {  	s30 =	simm.s32 $0x3000  }
0x1ec: {  	[hbm4b:s9+s4] =	stream.indirect_vreg.scatter [tilespmem:s30], [sflag:$0x3], $0x80, v4, vm0, $0xb8;
	[tilespmem:$0x1D000] =	vst v63  }
0x1ed: {  	s23 =	simm.s32 $0x3800  }
0x1ee: {  	[hbm4b:s3+s4] =	stream.indirect_vreg.scatter [tilespmem:s23], [sflag:$0x3], $0x80, v3, vm0, $0xb8;
	[tilespmem:$0x1D000] =	vst v63  }
0x1ef: {  	s26 =	simm.s32 $0x4000  }
0x1f0: {  	[hbm4b:s8+s4] =	stream.indirect_vreg.scatter [tilespmem:s26], [sflag:$0x3], $0x80, v3, vm0, $0xb8;
	[tilespmem:$0x1D000] =	vst v63  }
0x1f1: {  	s30 =	simm.s32 $0x4800  }
0x1f2: {  	[hbm4b:s9+s4] =	stream.indirect_vreg.scatter [tilespmem:s30], [sflag:$0x3], $0x80, v3, vm0, $0xb8;
	[tilespmem:$0x1D000] =	vst v63  }
0x1f3: {  	v3 =	vld [tilespmem:s14+$0xFFFFFE90];
	_ =	sdelay $0x4  }
0x1f4: {  	v10 =	vshrl.u32 v3, $0x3  }
0x1f5: {  	v4 =	vmul.u32 $0x30, v10  }
0x1f6: {  	v3 =	vand.u32 $0x7, v3  }
0x1f7: {  	v3 =	vor.u32 v3, v4  }
0x1f8: {  	v4 =	vperm.xlane v3, v0;
	_ =	sdelay $0x1  }
0x1f9: {  	v4 =	vadd.s32 v1, v4;
	_ =	sdelay $0x3  }
0x1fa: {  	s26 =	simm.s32 $0x5000;
	v3 =	vperm.xlane v3, v2  }
0x1fb: {  	[hbm4b:s3+s4] =	stream.indirect_vreg.scatter [tilespmem:s26], [sflag:$0x3], $0x80, v4, vm0, $0xb8;
	[tilespmem:$0x1D000] =	vst v63  }
0x1fc: {  	s30 =	simm.s32 $0x5800;
	v3 =	vadd.s32 v1, v3  }
0x1fd: {  	[hbm4b:s8+s4] =	stream.indirect_vreg.scatter [tilespmem:s30], [sflag:$0x3], $0x80, v4, vm0, $0xb8;
	[tilespmem:$0x1D000] =	vst v63  }
0x1fe: {  	s21 =	simm.s32 $0x6000  }
0x1ff: {  	[hbm4b:s9+s4] =	stream.indirect_vreg.scatter [tilespmem:s21], [sflag:$0x3], $0x80, v4, vm0, $0xb8;
	[tilespmem:$0x1D000] =	vst v63  }
0x200: {  	s25 =	simm.s32 $0x6800  }
0x201: {  	[hbm4b:s3+s4] =	stream.indirect_vreg.scatter [tilespmem:s25], [sflag:$0x3], $0x80, v3, vm0, $0xb8;
	[tilespmem:$0x1D000] =	vst v63  }
0x202: {  	s31 =	simm.s32 $0x7000  }
0x203: {  	[hbm4b:s8+s4] =	stream.indirect_vreg.scatter [tilespmem:s31], [sflag:$0x3], $0x80, v3, vm0, $0xb8;
	[tilespmem:$0x1D000] =	vst v63  }
0x204: {  	s7 =	simm.s32 $0x7800  }
0x205: {  	[hbm4b:s9+s4] =	stream.indirect_vreg.scatter [tilespmem:s7], [sflag:$0x3], $0x80, v3, vm0, $0xb8;
	[tilespmem:$0x1D000] =	vst v63  }
0x206: {  	v3 =	vld [tilespmem:s14+$0xFFFFFEA0];
	_ =	sdelay $0x4  }
0x207: {  	v11 =	vshrl.u32 v3, $0x3  }
0x208: {  	v4 =	vmul.u32 $0x30, v11  }
0x209: {  	v3 =	vand.u32 $0x7, v3  }
0x20a: {  	v3 =	vor.u32 v3, v4  }
0x20b: {  	v4 =	vperm.xlane v3, v0;
	_ =	sdelay $0x1  }
0x20c: {  	v4 =	vadd.s32 v1, v4;
	_ =	sdelay $0x3  }
0x20d: {  	s1 =	simm.s32 $0x8000;
	v3 =	vperm.xlane v3, v2  }
0x20e: {  	[hbm4b:s3+s4] =	stream.indirect_vreg.scatter [tilespmem:s1], [sflag:$0x3], $0x80, v4, vm0, $0xb8;
	[tilespmem:$0x1D000] =	vst v63  }
0x20f: {  	s29 =	simm.s32 $0x8800;
	v3 =	vadd.s32 v1, v3  }
0x210: {  	[hbm4b:s8+s4] =	stream.indirect_vreg.scatter [tilespmem:s29], [sflag:$0x3], $0x80, v4, vm0, $0xb8;
	[tilespmem:$0x1D000] =	vst v63  }
0x211: {  	s28 =	simm.s32 $0x9000  }
0x212: {  	[hbm4b:s9+s4] =	stream.indirect_vreg.scatter [tilespmem:s28], [sflag:$0x3], $0x80, v4, vm0, $0xb8;
	[tilespmem:$0x1D000] =	vst v63  }
0x213: {  	s24 =	simm.s32 $0x9800  }
0x214: {  	[hbm4b:s3+s4] =	stream.indirect_vreg.scatter [tilespmem:s24], [sflag:$0x3], $0x80, v3, vm0, $0xb8;
	[tilespmem:$0x1D000] =	vst v63  }
0x215: {  	s19 =	simm.s32 $0xA000  }
0x216: {  	[hbm4b:s8+s4] =	stream.indirect_vreg.scatter [tilespmem:s19], [sflag:$0x3], $0x80, v3, vm0, $0xb8;
	[tilespmem:$0x1D000] =	vst v63  }
0x217: {  	s13 =	simm.s32 $0xA800  }
0x218: {  	[hbm4b:s9+s4] =	stream.indirect_vreg.scatter [tilespmem:s13], [sflag:$0x3], $0x80, v3, vm0, $0xb8;
	[tilespmem:$0x1D000] =	vst v63  }
0x219: {  	v3 =	vld [tilespmem:s14+$0xFFFFFEB0];
	_ =	sdelay $0x4  }
0x21a: {  	v12 =	vshrl.u32 v3, $0x3  }
0x21b: {  	v4 =	vmul.u32 $0x30, v12  }
0x21c: {  	v3 =	vand.u32 $0x7, v3  }
0x21d: {  	v3 =	vor.u32 v3, v4  }
0x21e: {  	v4 =	vperm.xlane v3, v0;
	_ =	sdelay $0x1  }
0x21f: {  	v4 =	vadd.s32 v1, v4;
	_ =	sdelay $0x3  }
0x220: {  	s10 =	simm.s32 $0xB000;
	v3 =	vperm.xlane v3, v2  }
0x221: {  	[hbm4b:s3+s4] =	stream.indirect_vreg.scatter [tilespmem:s10], [sflag:$0x3], $0x80, v4, vm0, $0xb8;
	[tilespmem:$0x1D000] =	vst v63  }
0x222: {  	s15 =	simm.s32 $0xB800;
	v3 =	vadd.s32 v1, v3  }
0x223: {  	[hbm4b:s8+s4] =	stream.indirect_vreg.scatter [tilespmem:s15], [sflag:$0x3], $0x80, v4, vm0, $0xb8;
	[tilespmem:$0x1D000] =	vst v63  }
0x224: {  	s11 =	simm.s32 $0xC000  }
0x225: {  	[hbm4b:s9+s4] =	stream.indirect_vreg.scatter [tilespmem:s11], [sflag:$0x3], $0x80, v4, vm0, $0xb8;
	[tilespmem:$0x1D000] =	vst v63  }
0x226: {  	s16 =	simm.s32 $0xC800  }
0x227: {  	[hbm4b:s3+s4] =	stream.indirect_vreg.scatter [tilespmem:s16], [sflag:$0x3], $0x80, v3, vm0, $0xb8;
	[tilespmem:$0x1D000] =	vst v63  }
0x228: {  	s18 =	simm.s32 $0xD000  }
0x229: {  	[hbm4b:s8+s4] =	stream.indirect_vreg.scatter [tilespmem:s18], [sflag:$0x3], $0x80, v3, vm0, $0xb8;
	[tilespmem:$0x1D000] =	vst v63  }
0x22a: {  	s12 =	simm.s32 $0xD800  }
0x22b: {  	[hbm4b:s9+s4] =	stream.indirect_vreg.scatter [tilespmem:s12], [sflag:$0x3], $0x80, v3, vm0, $0xb8;
	[tilespmem:$0x1D000] =	vst v63  }
0x22c: {  	v3 =	vld.msk [tilespmem:s14+$0xFFFFFEC0], $0xff;
	_ =	sdelay $0x4  }
0x22d: {  	v13 =	vshrl.u32 v3, $0x3  }
0x22e: {  	v4 =	vmul.u32 $0x30, v13  }
0x22f: {  	v3 =	vand.u32 $0x7, v3  }
0x230: {  	v3 =	vor.u32 v3, v4  }
0x231: {  	v3 =	vperm.xlane v3, v0;
	_ =	sdelay $0x1  }
0x232: {  	v3 =	vadd.s32 v1, v3;
	_ =	sdelay $0x3  }
0x233: {  	s6 =	simm.s32 $0xE000  }
0x234: {  	[hbm4b:s3+s4] =	stream.indirect_vreg.scatter [tilespmem:s6], [sflag:$0x3], $0x80, v3, vm0, $0xb8;
	[tilespmem:$0x1D000] =	vst v63  }
0x235: {  	s17 =	simm.s32 $0xE800  }
0x236: {  	[hbm4b:s8+s4] =	stream.indirect_vreg.scatter [tilespmem:s17], [sflag:$0x3], $0x80, v3, vm0, $0xb8;
	[tilespmem:$0x1D000] =	vst v63  }
0x237: {  	s0 =	simm.s32 $0xF000  }
0x238: {  	[hbm4b:s9+s4] =	stream.indirect_vreg.scatter [tilespmem:s0], [sflag:$0x3], $0x80, v3, vm0, $0xb8;
	[tilespmem:$0x1D000] =	vst v63  }
0x239: {  	v3 =	vld [tilespmem:s14+$0xFFFFFF00];
	_ =	sdelay $0x4  }
0x23a: {  	v14 =	vshrl.u32 v3, $0x3  }
0x23b: {  	v4 =	vmul.u32 $0x30, v14  }
0x23c: {  	v3 =	vand.u32 $0x7, v3  }
0x23d: {  	v3 =	vor.u32 v3, v4  }
0x23e: {  	v4 =	vperm.xlane v3, v0;
	_ =	sdelay $0x1  }
0x23f: {  	v4 =	vadd.s32 v1, v4;
	_ =	sdelay $0x3  }
0x240: {  	s5 =	simm.s32 $0x2000;
	v3 =	vperm.xlane v3, v2  }
0x241: {  	[hbm4b:s3+s4] =	stream.indirect_vreg.scatter [tilespmem:s5], [sflag:$0x3], $0x80, v4, vm0, $0xb8;
	[tilespmem:$0x1D000] =	vst v63  }
0x242: {  	s20 =	simm.s32 $0x2800;
	v3 =	vadd.s32 v1, v3  }
0x243: {  	[hbm4b:s8+s4] =	stream.indirect_vreg.scatter [tilespmem:s20], [sflag:$0x3], $0x80, v4, vm0, $0xb8;
	[tilespmem:$0x1D000] =	vst v63  }
0x244: {  	s20 =	simm.s32 $0x3000  }
0x245: {  	[hbm4b:s9+s4] =	stream.indirect_vreg.scatter [tilespmem:s20], [sflag:$0x3], $0x80, v4, vm0, $0xb8;
	[tilespmem:$0x1D000] =	vst v63  }
0x246: {  	s2 =	simm.s32 $0x3800  }
0x247: {  	[hbm4b:s3+s4] =	stream.indirect_vreg.scatter [tilespmem:s2], [sflag:$0x3], $0x80, v3, vm0, $0xb8;
	[tilespmem:$0x1D000] =	vst v63  }
0x248: {  	s22 =	simm.s32 $0x4000  }
0x249: {  	[hbm4b:s8+s4] =	stream.indirect_vreg.scatter [tilespmem:s22], [sflag:$0x3], $0x80, v3, vm0, $0xb8;
	[tilespmem:$0x1D000] =	vst v63  }
0x24a: {  	s28 =	simm.s32 $0x4800  }
0x24b: {  	[hbm4b:s9+s4] =	stream.indirect_vreg.scatter [tilespmem:s28], [sflag:$0x3], $0x80, v3, vm0, $0xb8;
	[tilespmem:$0x1D000] =	vst v63  }
0x24c: {  	v3 =	vld [tilespmem:s14+$0xFFFFFF10];
	_ =	sdelay $0x4  }
0x24d: {  	v15 =	vshrl.u32 v3, $0x3  }
0x24e: {  	v4 =	vmul.u32 $0x30, v15  }
0x24f: {  	v3 =	vand.u32 $0x7, v3  }
0x250: {  	v3 =	vor.u32 v3, v4  }
0x251: {  	v4 =	vperm.xlane v3, v0;
	_ =	sdelay $0x1  }
0x252: {  	v4 =	vadd.s32 v1, v4;
	_ =	sdelay $0x3  }
0x253: {  	s20 =	simm.s32 $0x5000;
	v3 =	vperm.xlane v3, v2  }
0x254: {  	[hbm4b:s3+s4] =	stream.indirect_vreg.scatter [tilespmem:s20], [sflag:$0x3], $0x80, v4, vm0, $0xb8;
	[tilespmem:$0x1D000] =	vst v63  }
0x255: {  	s22 =	simm.s32 $0x5800;
	v3 =	vadd.s32 v1, v3  }
0x256: {  	[hbm4b:s8+s4] =	stream.indirect_vreg.scatter [tilespmem:s22], [sflag:$0x3], $0x80, v4, vm0, $0xb8;
	[tilespmem:$0x1D000] =	vst v63  }
0x257: {  	s30 =	simm.s32 $0x6000  }
0x258: {  	[hbm4b:s9+s4] =	stream.indirect_vreg.scatter [tilespmem:s30], [sflag:$0x3], $0x80, v4, vm0, $0xb8;
	[tilespmem:$0x1D000] =	vst v63  }
0x259: {  	s23 =	simm.s32 $0x6800  }
0x25a: {  	[hbm4b:s3+s4] =	stream.indirect_vreg.scatter [tilespmem:s23], [sflag:$0x3], $0x80, v3, vm0, $0xb8;
	[tilespmem:$0x1D000] =	vst v63  }
0x25b: {  	s23 =	simm.s32 $0x7000  }
0x25c: {  	[hbm4b:s8+s4] =	stream.indirect_vreg.scatter [tilespmem:s23], [sflag:$0x3], $0x80, v3, vm0, $0xb8;
	[tilespmem:$0x1D000] =	vst v63  }
0x25d: {  	s25 =	simm.s32 $0x7800  }
0x25e: {  	[hbm4b:s9+s4] =	stream.indirect_vreg.scatter [tilespmem:s25], [sflag:$0x3], $0x80, v3, vm0, $0xb8;
	[tilespmem:$0x1D000] =	vst v63  }
0x25f: {  	v3 =	vld [tilespmem:s14+$0xFFFFFF20];
	_ =	sdelay $0x4  }
0x260: {  	v16 =	vshrl.u32 v3, $0x3  }
0x261: {  	v4 =	vmul.u32 $0x30, v16  }
0x262: {  	v3 =	vand.u32 $0x7, v3  }
0x263: {  	v3 =	vor.u32 v3, v4  }
0x264: {  	v4 =	vperm.xlane v3, v0;
	_ =	sdelay $0x1  }
0x265: {  	v4 =	vadd.s32 v1, v4;
	_ =	sdelay $0x3  }
0x266: {  	s1 =	simm.s32 $0x8000;
	v3 =	vperm.xlane v3, v2  }
0x267: {  	[hbm4b:s3+s4] =	stream.indirect_vreg.scatter [tilespmem:s1], [sflag:$0x3], $0x80, v4, vm0, $0xb8;
	[tilespmem:$0x1D000] =	vst v63  }
0x268: {  	s30 =	simm.s32 $0x8800;
	v3 =	vadd.s32 v1, v3  }
0x269: {  	[hbm4b:s8+s4] =	stream.indirect_vreg.scatter [tilespmem:s30], [sflag:$0x3], $0x80, v4, vm0, $0xb8;
	[tilespmem:$0x1D000] =	vst v63  }
0x26a: {  	s31 =	simm.s32 $0x9000  }
0x26b: {  	[hbm4b:s9+s4] =	stream.indirect_vreg.scatter [tilespmem:s31], [sflag:$0x3], $0x80, v4, vm0, $0xb8;
	[tilespmem:$0x1D000] =	vst v63  }
0x26c: {  	s26 =	simm.s32 $0x9800  }
0x26d: {  	[hbm4b:s3+s4] =	stream.indirect_vreg.scatter [tilespmem:s26], [sflag:$0x3], $0x80, v3, vm0, $0xb8;
	[tilespmem:$0x1D000] =	vst v63  }
0x26e: {  	s7 =	simm.s32 $0xA000  }
0x26f: {  	[hbm4b:s8+s4] =	stream.indirect_vreg.scatter [tilespmem:s7], [sflag:$0x3], $0x80, v3, vm0, $0xb8;
	[tilespmem:$0x1D000] =	vst v63  }
0x270: {  	s24 =	simm.s32 $0xA800  }
0x271: {  	[hbm4b:s9+s4] =	stream.indirect_vreg.scatter [tilespmem:s24], [sflag:$0x3], $0x80, v3, vm0, $0xb8;
	[tilespmem:$0x1D000] =	vst v63  }
0x272: {  	v3 =	vld [tilespmem:s14+$0xFFFFFF30];
	_ =	sdelay $0x4  }
0x273: {  	v17 =	vshrl.u32 v3, $0x3  }
0x274: {  	v4 =	vmul.u32 $0x30, v17  }
0x275: {  	v3 =	vand.u32 $0x7, v3  }
0x276: {  	v3 =	vor.u32 v3, v4  }
0x277: {  	v4 =	vperm.xlane v3, v0;
	_ =	sdelay $0x1  }
0x278: {  	v4 =	vadd.s32 v1, v4;
	_ =	sdelay $0x3  }
0x279: {  	s10 =	simm.s32 $0xB000;
	v3 =	vperm.xlane v3, v2  }
0x27a: {  	[hbm4b:s3+s4] =	stream.indirect_vreg.scatter [tilespmem:s10], [sflag:$0x3], $0x80, v4, vm0, $0xb8;
	[tilespmem:$0x1D000] =	vst v63  }
0x27b: {  	s15 =	simm.s32 $0xB800;
	v3 =	vadd.s32 v1, v3  }
0x27c: {  	[hbm4b:s8+s4] =	stream.indirect_vreg.scatter [tilespmem:s15], [sflag:$0x3], $0x80, v4, vm0, $0xb8;
	[tilespmem:$0x1D000] =	vst v63  }
0x27d: {  	s11 =	simm.s32 $0xC000  }
0x27e: {  	[hbm4b:s9+s4] =	stream.indirect_vreg.scatter [tilespmem:s11], [sflag:$0x3], $0x80, v4, vm0, $0xb8;
	[tilespmem:$0x1D000] =	vst v63  }
0x27f: {  	s16 =	simm.s32 $0xC800  }
0x280: {  	[hbm4b:s3+s4] =	stream.indirect_vreg.scatter [tilespmem:s16], [sflag:$0x3], $0x80, v3, vm0, $0xb8;
	[tilespmem:$0x1D000] =	vst v63  }
0x281: {  	s18 =	simm.s32 $0xD000  }
0x282: {  	[hbm4b:s8+s4] =	stream.indirect_vreg.scatter [tilespmem:s18], [sflag:$0x3], $0x80, v3, vm0, $0xb8;
	[tilespmem:$0x1D000] =	vst v63  }
0x283: {  	s12 =	simm.s32 $0xD800  }
0x284: {  	[hbm4b:s9+s4] =	stream.indirect_vreg.scatter [tilespmem:s12], [sflag:$0x3], $0x80, v3, vm0, $0xb8;
	[tilespmem:$0x1D000] =	vst v63  }
0x285: {  	v3 =	vld.msk [tilespmem:s14+$0xFFFFFF40], $0xff;
	_ =	sdelay $0x4  }
0x286: {  	v18 =	vshrl.u32 v3, $0x3  }
0x287: {  	v4 =	vmul.u32 $0x30, v18  }
0x288: {  	v3 =	vand.u32 $0x7, v3  }
0x289: {  	v3 =	vor.u32 v3, v4  }
0x28a: {  	v3 =	vperm.xlane v3, v0;
	_ =	sdelay $0x1  }
0x28b: {  	v3 =	vadd.s32 v1, v3;
	_ =	sdelay $0x3  }
0x28c: {  	s6 =	simm.s32 $0xE000  }
0x28d: {  	[hbm4b:s3+s4] =	stream.indirect_vreg.scatter [tilespmem:s6], [sflag:$0x3], $0x80, v3, vm0, $0xb8;
	[tilespmem:$0x1D000] =	vst v63  }
0x28e: {  	s13 =	simm.s32 $0xE800  }
0x28f: {  	[hbm4b:s8+s4] =	stream.indirect_vreg.scatter [tilespmem:s13], [sflag:$0x3], $0x80, v3, vm0, $0xb8;
	[tilespmem:$0x1D000] =	vst v63  }
0x290: {  	s21 =	simm.s32 $0xF000  }
0x291: {  	[hbm4b:s9+s4] =	stream.indirect_vreg.scatter [tilespmem:s21], [sflag:$0x3], $0x80, v3, vm0, $0xb8;
	[tilespmem:$0x1D000] =	vst v63  }
0x292: {  	v3 =	vld [tilespmem:s14+$0xFFFFFF80];
	_ =	sdelay $0x4  }
0x293: {  	v19 =	vshrl.u32 v3, $0x3  }
0x294: {  	v4 =	vmul.u32 $0x30, v19  }
0x295: {  	v3 =	vand.u32 $0x7, v3  }
0x296: {  	v3 =	vor.u32 v3, v4  }
0x297: {  	v4 =	vperm.xlane v3, v0;
	_ =	sdelay $0x1  }
0x298: {  	v4 =	vadd.s32 v1, v4;
	_ =	sdelay $0x3  }
0x299: {  	s17 =	simm.s32 $0x2000;
	v3 =	vperm.xlane v3, v2  }
0x29a: {  	[hbm4b:s3+s4] =	stream.indirect_vreg.scatter [tilespmem:s17], [sflag:$0x3], $0x80, v4, vm0, $0xb8;
	[tilespmem:$0x1D000] =	vst v63  }
0x29b: {  	s5 =	simm.s32 $0x2800;
	v3 =	vadd.s32 v1, v3  }
0x29c: {  	[hbm4b:s8+s4] =	stream.indirect_vreg.scatter [tilespmem:s5], [sflag:$0x3], $0x80, v4, vm0, $0xb8;
	[tilespmem:$0x1D000] =	vst v63  }
0x29d: {  	s29 =	simm.s32 $0x3000  }
0x29e: {  	[hbm4b:s9+s4] =	stream.indirect_vreg.scatter [tilespmem:s29], [sflag:$0x3], $0x80, v4, vm0, $0xb8;
	[tilespmem:$0x1D000] =	vst v63  }
0x29f: {  	s0 =	simm.s32 $0x3800  }
0x2a0: {  	[hbm4b:s3+s4] =	stream.indirect_vreg.scatter [tilespmem:s0], [sflag:$0x3], $0x80, v3, vm0, $0xb8;
	[tilespmem:$0x1D000] =	vst v63  }
0x2a1: {  	s19 =	simm.s32 $0x4000  }
0x2a2: {  	[hbm4b:s8+s4] =	stream.indirect_vreg.scatter [tilespmem:s19], [sflag:$0x3], $0x80, v3, vm0, $0xb8;
	[tilespmem:$0x1D000] =	vst v63  }
0x2a3: {  	s18 =	simm.s32 $0x4800  }
0x2a4: {  	[hbm4b:s9+s4] =	stream.indirect_vreg.scatter [tilespmem:s18], [sflag:$0x3], $0x80, v3, vm0, $0xb8;
	[tilespmem:$0x1D000] =	vst v63  }
0x2a5: {  	v3 =	vld [tilespmem:s14+$0xFFFFFF90];
	_ =	sdelay $0x4  }
0x2a6: {  	v20 =	vshrl.u32 v3, $0x3  }
0x2a7: {  	v4 =	vmul.u32 $0x30, v20  }
0x2a8: {  	v3 =	vand.u32 $0x7, v3  }
0x2a9: {  	v3 =	vor.u32 v3, v4  }
0x2aa: {  	v4 =	vperm.xlane v3, v0;
	_ =	sdelay $0x1  }
0x2ab: {  	v4 =	vadd.s32 v1, v4;
	_ =	sdelay $0x3  }
0x2ac: {  	s19 =	simm.s32 $0x5000;
	v3 =	vperm.xlane v3, v2  }
0x2ad: {  	[hbm4b:s3+s4] =	stream.indirect_vreg.scatter [tilespmem:s19], [sflag:$0x3], $0x80, v4, vm0, $0xb8;
	[tilespmem:$0x1D000] =	vst v63  }
0x2ae: {  	s21 =	simm.s32 $0x5800;
	v3 =	vadd.s32 v1, v3  }
0x2af: {  	[hbm4b:s8+s4] =	stream.indirect_vreg.scatter [tilespmem:s21], [sflag:$0x3], $0x80, v4, vm0, $0xb8;
	[tilespmem:$0x1D000] =	vst v63  }
0x2b0: {  	s28 =	simm.s32 $0x6000  }
0x2b1: {  	[hbm4b:s9+s4] =	stream.indirect_vreg.scatter [tilespmem:s28], [sflag:$0x3], $0x80, v4, vm0, $0xb8;
	[tilespmem:$0x1D000] =	vst v63  }
0x2b2: {  	s22 =	simm.s32 $0x6800  }
0x2b3: {  	[hbm4b:s3+s4] =	stream.indirect_vreg.scatter [tilespmem:s22], [sflag:$0x3], $0x80, v3, vm0, $0xb8;
	[tilespmem:$0x1D000] =	vst v63  }
0x2b4: {  	s24 =	simm.s32 $0x7000  }
0x2b5: {  	[hbm4b:s8+s4] =	stream.indirect_vreg.scatter [tilespmem:s24], [sflag:$0x3], $0x80, v3, vm0, $0xb8;
	[tilespmem:$0x1D000] =	vst v63  }
0x2b6: {  	s23 =	simm.s32 $0x7800  }
0x2b7: {  	[hbm4b:s9+s4] =	stream.indirect_vreg.scatter [tilespmem:s23], [sflag:$0x3], $0x80, v3, vm0, $0xb8;
	[tilespmem:$0x1D000] =	vst v63  }
0x2b8: {  	v3 =	vld [tilespmem:s14+$0xFFFFFFA0];
	_ =	sdelay $0x4  }
0x2b9: {  	v21 =	vshrl.u32 v3, $0x3  }
0x2ba: {  	v4 =	vmul.u32 $0x30, v21  }
0x2bb: {  	v3 =	vand.u32 $0x7, v3  }
0x2bc: {  	v3 =	vor.u32 v3, v4  }
0x2bd: {  	v4 =	vperm.xlane v3, v0;
	_ =	sdelay $0x1  }
0x2be: {  	v4 =	vadd.s32 v1, v4;
	_ =	sdelay $0x3  }
0x2bf: {  	s2 =	simm.s32 $0x8000;
	v3 =	vperm.xlane v3, v2  }
0x2c0: {  	[hbm4b:s3+s4] =	stream.indirect_vreg.scatter [tilespmem:s2], [sflag:$0x3], $0x80, v4, vm0, $0xb8;
	[tilespmem:$0x1D000] =	vst v63  }
0x2c1: {  	s28 =	simm.s32 $0x8800;
	v3 =	vadd.s32 v1, v3  }
0x2c2: {  	[hbm4b:s8+s4] =	stream.indirect_vreg.scatter [tilespmem:s28], [sflag:$0x3], $0x80, v4, vm0, $0xb8;
	[tilespmem:$0x1D000] =	vst v63  }
0x2c3: {  	s30 =	simm.s32 $0x9000  }
0x2c4: {  	[hbm4b:s9+s4] =	stream.indirect_vreg.scatter [tilespmem:s30], [sflag:$0x3], $0x80, v4, vm0, $0xb8;
	[tilespmem:$0x1D000] =	vst v63  }
0x2c5: {  	s1 =	simm.s32 $0x9800  }
0x2c6: {  	[hbm4b:s3+s4] =	stream.indirect_vreg.scatter [tilespmem:s1], [sflag:$0x3], $0x80, v3, vm0, $0xb8;
	[tilespmem:$0x1D000] =	vst v63  }
0x2c7: {  	s25 =	simm.s32 $0xA000  }
0x2c8: {  	[hbm4b:s8+s4] =	stream.indirect_vreg.scatter [tilespmem:s25], [sflag:$0x3], $0x80, v3, vm0, $0xb8;
	[tilespmem:$0x1D000] =	vst v63  }
0x2c9: {  	s7 =	simm.s32 $0xA800  }
0x2ca: {  	[hbm4b:s9+s4] =	stream.indirect_vreg.scatter [tilespmem:s7], [sflag:$0x3], $0x80, v3, vm0, $0xb8;
	[tilespmem:$0x1D000] =	vst v63  }
0x2cb: {  	v3 =	vld [tilespmem:s14+$0xFFFFFFB0];
	_ =	sdelay $0x4  }
0x2cc: {  	v22 =	vshrl.u32 v3, $0x3  }
0x2cd: {  	v4 =	vmul.u32 $0x30, v22  }
0x2ce: {  	v3 =	vand.u32 $0x7, v3  }
0x2cf: {  	v3 =	vor.u32 v3, v4  }
0x2d0: {  	v4 =	vperm.xlane v3, v0;
	_ =	sdelay $0x1  }
0x2d1: {  	v4 =	vadd.s32 v1, v4;
	_ =	sdelay $0x3  }
0x2d2: {  	s20 =	simm.s32 $0xB000;
	v3 =	vperm.xlane v3, v2  }
0x2d3: {  	[hbm4b:s3+s4] =	stream.indirect_vreg.scatter [tilespmem:s20], [sflag:$0x3], $0x80, v4, vm0, $0xb8;
	[tilespmem:$0x1D000] =	vst v63  }
0x2d4: {  	s10 =	simm.s32 $0xB800;
	v3 =	vadd.s32 v1, v3  }
0x2d5: {  	[hbm4b:s8+s4] =	stream.indirect_vreg.scatter [tilespmem:s10], [sflag:$0x3], $0x80, v4, vm0, $0xb8;
	[tilespmem:$0x1D000] =	vst v63  }
0x2d6: {  	s15 =	simm.s32 $0xC000  }
0x2d7: {  	[hbm4b:s9+s4] =	stream.indirect_vreg.scatter [tilespmem:s15], [sflag:$0x3], $0x80, v4, vm0, $0xb8;
	[tilespmem:$0x1D000] =	vst v63  }
0x2d8: {  	s16 =	simm.s32 $0xC800  }
0x2d9: {  	[hbm4b:s3+s4] =	stream.indirect_vreg.scatter [tilespmem:s16], [sflag:$0x3], $0x80, v3, vm0, $0xb8;
	[tilespmem:$0x1D000] =	vst v63  }
0x2da: {  	s11 =	simm.s32 $0xD000  }
0x2db: {  	[hbm4b:s8+s4] =	stream.indirect_vreg.scatter [tilespmem:s11], [sflag:$0x3], $0x80, v3, vm0, $0xb8;
	[tilespmem:$0x1D000] =	vst v63  }
0x2dc: {  	s12 =	simm.s32 $0xD800  }
0x2dd: {  	[hbm4b:s9+s4] =	stream.indirect_vreg.scatter [tilespmem:s12], [sflag:$0x3], $0x80, v3, vm0, $0xb8;
	[tilespmem:$0x1D000] =	vst v63  }
0x2de: {  	v3 =	vld.msk [tilespmem:s14+$0xFFFFFFC0], $0xff;
	_ =	sdelay $0x4  }
0x2df: {  	v23 =	vshrl.u32 v3, $0x3  }
0x2e0: {  	v4 =	vmul.u32 $0x30, v23  }
0x2e1: {  	v3 =	vand.u32 $0x7, v3  }
0x2e2: {  	v3 =	vor.u32 v3, v4  }
0x2e3: {  	v3 =	vperm.xlane v3, v0;
	_ =	sdelay $0x1  }
0x2e4: {  	v3 =	vadd.s32 v1, v3;
	_ =	sdelay $0x3  }
0x2e5: {  	s6 =	simm.s32 $0xE000  }
0x2e6: {  	[hbm4b:s3+s4] =	stream.indirect_vreg.scatter [tilespmem:s6], [sflag:$0x3], $0x80, v3, vm0, $0xb8;
	[tilespmem:$0x1D000] =	vst v63  }
0x2e7: {  	s13 =	simm.s32 $0xE800  }
0x2e8: {  	[hbm4b:s8+s4] =	stream.indirect_vreg.scatter [tilespmem:s13], [sflag:$0x3], $0x80, v3, vm0, $0xb8;
	[tilespmem:$0x1D000] =	vst v63  }
0x2e9: {  	s31 =	simm.s32 $0xF000;
	s29 =	simm.s32 $0x2  }
0x2ea: {  	[hbm4b:s9+s4] =	stream.indirect_vreg.scatter [tilespmem:s31], [sflag:$0x3], $0x80, v3, vm0, $0xb8;
	[tilespmem:$0x1D000] =	vst v63  }
0x2eb: {  	_ =	swait.ge [sflag:s29], $0xD800  }
0x2ec: {  	[sflag:s29] =	ssyncset.done $0x0  }
0x2ed: {  	[sflag:s29] =	ssyncadd.s32 $0xFFFF2800  }
0x2ee: {  	v3 =	vld [tilespmem:s14+$0x0];
	_ =	sdelay $0x4  }
0x2ef: {  	v24 =	vshrl.u32 v3, $0x3  }
0x2f0: {  	v4 =	vmul.u32 $0x30, v24  }
0x2f1: {  	v3 =	vand.u32 $0x7, v3  }
0x2f2: {  	v3 =	vor.u32 v3, v4  }
0x2f3: {  	v4 =	vperm.xlane v3, v0;
	_ =	sdelay $0x1  }
0x2f4: {  	v4 =	vadd.s32 v1, v4;
	_ =	sdelay $0x3  }
0x2f5: {  	s30 =	simm.s32 $0xF800;
	v3 =	vperm.xlane v3, v2  }
0x2f6: {  	[hbm4b:s3+s4] =	stream.indirect_vreg.scatter [tilespmem:s30], [sflag:$0x4], $0x80, v4, vm0, $0xb8;
	[tilespmem:$0x1D000] =	vst v63  }
0x2f7: {  	s31 =	simm.s32 $0x10000;
	v3 =	vadd.s32 v1, v3  }
0x2f8: {  	[hbm4b:s8+s4] =	stream.indirect_vreg.scatter [tilespmem:s31], [sflag:$0x4], $0x80, v4, vm0, $0xb8;
	[tilespmem:$0x1D000] =	vst v63  }
0x2f9: {  	s1 =	simm.s32 $0x10800  }
0x2fa: {  	[hbm4b:s9+s4] =	stream.indirect_vreg.scatter [tilespmem:s1], [sflag:$0x4], $0x80, v4, vm0, $0xb8;
	[tilespmem:$0x1D000] =	vst v63  }
0x2fb: {  	s2 =	simm.s32 $0x11000  }
0x2fc: {  	[hbm4b:s3+s4] =	stream.indirect_vreg.scatter [tilespmem:s2], [sflag:$0x4], $0x80, v3, vm0, $0xb8;
	[tilespmem:$0x1D000] =	vst v63  }
0x2fd: {  	s6 =	simm.s32 $0x11800  }
0x2fe: {  	[hbm4b:s8+s4] =	stream.indirect_vreg.scatter [tilespmem:s6], [sflag:$0x4], $0x80, v3, vm0, $0xb8;
	[tilespmem:$0x1D000] =	vst v63  }
0x2ff: {  	s10 =	simm.s32 $0x12000  }
0x300: {  	[hbm4b:s9+s4] =	stream.indirect_vreg.scatter [tilespmem:s10], [sflag:$0x4], $0x80, v3, vm0, $0xb8;
	[tilespmem:$0x1D000] =	vst v63  }
0x301: {  	v3 =	vld [tilespmem:s14+$0x10];
	_ =	sdelay $0x4  }
0x302: {  	v25 =	vshrl.u32 v3, $0x3  }
0x303: {  	v4 =	vmul.u32 $0x30, v25  }
0x304: {  	v3 =	vand.u32 $0x7, v3  }
0x305: {  	v3 =	vor.u32 v3, v4  }
0x306: {  	v4 =	vperm.xlane v3, v0;
	_ =	sdelay $0x1  }
0x307: {  	v4 =	vadd.s32 v1, v4;
	_ =	sdelay $0x3  }
0x308: {  	s11 =	simm.s32 $0x12800;
	v3 =	vperm.xlane v3, v2  }
0x309: {  	[hbm4b:s3+s4] =	stream.indirect_vreg.scatter [tilespmem:s11], [sflag:$0x4], $0x80, v4, vm0, $0xb8;
	[tilespmem:$0x1D000] =	vst v63  }
0x30a: {  	s16 =	simm.s32 $0x13000;
	v3 =	vadd.s32 v1, v3  }
0x30b: {  	[hbm4b:s8+s4] =	stream.indirect_vreg.scatter [tilespmem:s16], [sflag:$0x4], $0x80, v4, vm0, $0xb8;
	[tilespmem:$0x1D000] =	vst v63  }
0x30c: {  	s17 =	simm.s32 $0x13800  }
0x30d: {  	[hbm4b:s9+s4] =	stream.indirect_vreg.scatter [tilespmem:s17], [sflag:$0x4], $0x80, v4, vm0, $0xb8;
	[tilespmem:$0x1D000] =	vst v63  }
0x30e: {  	s18 =	simm.s32 $0x14000  }
0x30f: {  	[hbm4b:s3+s4] =	stream.indirect_vreg.scatter [tilespmem:s18], [sflag:$0x4], $0x80, v3, vm0, $0xb8;
	[tilespmem:$0x1D000] =	vst v63  }
0x310: {  	s19 =	simm.s32 $0x14800  }
0x311: {  	[hbm4b:s8+s4] =	stream.indirect_vreg.scatter [tilespmem:s19], [sflag:$0x4], $0x80, v3, vm0, $0xb8;
	[tilespmem:$0x1D000] =	vst v63  }
0x312: {  	s20 =	simm.s32 $0x15000  }
0x313: {  	[hbm4b:s9+s4] =	stream.indirect_vreg.scatter [tilespmem:s20], [sflag:$0x4], $0x80, v3, vm0, $0xb8;
	[tilespmem:$0x1D000] =	vst v63  }
0x314: {  	v3 =	vld [tilespmem:s14+$0x20];
	_ =	sdelay $0x4  }
0x315: {  	v26 =	vshrl.u32 v3, $0x3  }
0x316: {  	v4 =	vmul.u32 $0x30, v26  }
0x317: {  	v3 =	vand.u32 $0x7, v3  }
0x318: {  	v3 =	vor.u32 v3, v4  }
0x319: {  	v4 =	vperm.xlane v3, v0;
	_ =	sdelay $0x1  }
0x31a: {  	v4 =	vadd.s32 v1, v4;
	_ =	sdelay $0x3  }
0x31b: {  	s21 =	simm.s32 $0x15800;
	v3 =	vperm.xlane v3, v2  }
0x31c: {  	[hbm4b:s3+s4] =	stream.indirect_vreg.scatter [tilespmem:s21], [sflag:$0x4], $0x80, v4, vm0, $0xb8;
	[tilespmem:$0x1D000] =	vst v63  }
0x31d: {  	s22 =	simm.s32 $0x16000;
	v3 =	vadd.s32 v1, v3  }
0x31e: {  	[hbm4b:s8+s4] =	stream.indirect_vreg.scatter [tilespmem:s22], [sflag:$0x4], $0x80, v4, vm0, $0xb8;
	[tilespmem:$0x1D000] =	vst v63  }
0x31f: {  	s23 =	simm.s32 $0x16800  }
0x320: {  	[hbm4b:s9+s4] =	stream.indirect_vreg.scatter [tilespmem:s23], [sflag:$0x4], $0x80, v4, vm0, $0xb8;
	[tilespmem:$0x1D000] =	vst v63  }
0x321: {  	s24 =	simm.s32 $0x17000  }
0x322: {  	[hbm4b:s3+s4] =	stream.indirect_vreg.scatter [tilespmem:s24], [sflag:$0x4], $0x80, v3, vm0, $0xb8;
	[tilespmem:$0x1D000] =	vst v63  }
0x323: {  	s29 =	simm.s32 $0x17800  }
0x324: {  	[hbm4b:s8+s4] =	stream.indirect_vreg.scatter [tilespmem:s29], [sflag:$0x4], $0x80, v3, vm0, $0xb8;
	[tilespmem:$0x1D000] =	vst v63  }
0x325: {  	s30 =	simm.s32 $0x18000  }
0x326: {  	[hbm4b:s9+s4] =	stream.indirect_vreg.scatter [tilespmem:s30], [sflag:$0x4], $0x80, v3, vm0, $0xb8;
	[tilespmem:$0x1D000] =	vst v63  }
0x327: {  	v3 =	vld [tilespmem:s14+$0x30];
	_ =	sdelay $0x4  }
0x328: {  	v27 =	vshrl.u32 v3, $0x3  }
0x329: {  	v4 =	vmul.u32 $0x30, v27  }
0x32a: {  	v3 =	vand.u32 $0x7, v3  }
0x32b: {  	v3 =	vor.u32 v3, v4  }
0x32c: {  	v4 =	vperm.xlane v3, v0;
	_ =	sdelay $0x1  }
0x32d: {  	v4 =	vadd.s32 v1, v4;
	_ =	sdelay $0x3  }
0x32e: {  	s1 =	simm.s32 $0x18800;
	v3 =	vperm.xlane v3, v2  }
0x32f: {  	[hbm4b:s3+s4] =	stream.indirect_vreg.scatter [tilespmem:s1], [sflag:$0x4], $0x80, v4, vm0, $0xb8;
	[tilespmem:$0x1D000] =	vst v63  }
0x330: {  	s13 =	simm.s32 $0x19000;
	v3 =	vadd.s32 v1, v3  }
0x331: {  	[hbm4b:s8+s4] =	stream.indirect_vreg.scatter [tilespmem:s13], [sflag:$0x4], $0x80, v4, vm0, $0xb8;
	[tilespmem:$0x1D000] =	vst v63  }
0x332: {  	s15 =	simm.s32 $0x19800  }
0x333: {  	[hbm4b:s9+s4] =	stream.indirect_vreg.scatter [tilespmem:s15], [sflag:$0x4], $0x80, v4, vm0, $0xb8;
	[tilespmem:$0x1D000] =	vst v63  }
0x334: {  	s16 =	simm.s32 $0x1A000  }
0x335: {  	[hbm4b:s3+s4] =	stream.indirect_vreg.scatter [tilespmem:s16], [sflag:$0x4], $0x80, v3, vm0, $0xb8;
	[tilespmem:$0x1D000] =	vst v63  }
0x336: {  	s17 =	simm.s32 $0x1A800  }
0x337: {  	[hbm4b:s8+s4] =	stream.indirect_vreg.scatter [tilespmem:s17], [sflag:$0x4], $0x80, v3, vm0, $0xb8;
	[tilespmem:$0x1D000] =	vst v63  }
0x338: {  	s18 =	simm.s32 $0x1B000  }
0x339: {  	[hbm4b:s9+s4] =	stream.indirect_vreg.scatter [tilespmem:s18], [sflag:$0x4], $0x80, v3, vm0, $0xb8;
	[tilespmem:$0x1D000] =	vst v63  }
0x33a: {  	v3 =	vld.msk [tilespmem:s14+$0x40], $0xff;
	_ =	sdelay $0x4  }
0x33b: {  	v28 =	vshrl.u32 v3, $0x3  }
0x33c: {  	v4 =	vmul.u32 $0x30, v28  }
0x33d: {  	v3 =	vand.u32 $0x7, v3  }
0x33e: {  	v3 =	vor.u32 v3, v4  }
0x33f: {  	v3 =	vperm.xlane v3, v0;
	_ =	sdelay $0x1  }
0x340: {  	v3 =	vadd.s32 v1, v3;
	_ =	sdelay $0x3  }
0x341: {  	s19 =	simm.s32 $0x1B800  }
0x342: {  	[hbm4b:s3+s4] =	stream.indirect_vreg.scatter [tilespmem:s19], [sflag:$0x4], $0x80, v3, vm0, $0xb8;
	[tilespmem:$0x1D000] =	vst v63  }
0x343: {  	s21 =	simm.s32 $0x1C000  }
0x344: {  	[hbm4b:s8+s4] =	stream.indirect_vreg.scatter [tilespmem:s21], [sflag:$0x4], $0x80, v3, vm0, $0xb8;
	[tilespmem:$0x1D000] =	vst v63  }
0x345: {  	s22 =	simm.s32 $0x1C800  }
0x346: {  	[hbm4b:s9+s4] =	stream.indirect_vreg.scatter [tilespmem:s22], [sflag:$0x4], $0x80, v3, vm0, $0xb8;
	[tilespmem:$0x1D000] =	vst v63  }
0x347: {  	v3 =	vld [tilespmem:s14+$0x80];
	_ =	sdelay $0x4  }
0x348: {  	v29 =	vshrl.u32 v3, $0x3  }
0x349: {  	v4 =	vmul.u32 $0x30, v29  }
0x34a: {  	v3 =	vand.u32 $0x7, v3  }
0x34b: {  	v3 =	vor.u32 v3, v4  }
0x34c: {  	v4 =	vperm.xlane v3, v0;
	_ =	sdelay $0x1  }
0x34d: {  	v4 =	vadd.s32 v1, v4;
	_ =	sdelay $0x3  }
0x34e: {  	s5 =	simm.s32 $0xF800;
	v3 =	vperm.xlane v3, v2  }
0x34f: {  	[hbm4b:s3+s4] =	stream.indirect_vreg.scatter [tilespmem:s5], [sflag:$0x4], $0x80, v4, vm0, $0xb8;
	[tilespmem:$0x1D000] =	vst v63  }
0x350: {  	s1 =	simm.s32 $0x10000;
	v3 =	vadd.s32 v1, v3  }
0x351: {  	[hbm4b:s8+s4] =	stream.indirect_vreg.scatter [tilespmem:s1], [sflag:$0x4], $0x80, v4, vm0, $0xb8;
	[tilespmem:$0x1D000] =	vst v63  }
0x352: {  	s18 =	simm.s32 $0x10800  }
0x353: {  	[hbm4b:s9+s4] =	stream.indirect_vreg.scatter [tilespmem:s18], [sflag:$0x4], $0x80, v4, vm0, $0xb8;
	[tilespmem:$0x1D000] =	vst v63  }
0x354: {  	s7 =	simm.s32 $0x11000  }
0x355: {  	[hbm4b:s3+s4] =	stream.indirect_vreg.scatter [tilespmem:s7], [sflag:$0x4], $0x80, v3, vm0, $0xb8;
	[tilespmem:$0x1D000] =	vst v63  }
0x356: {  	s5 =	simm.s32 $0x11800  }
0x357: {  	[hbm4b:s8+s4] =	stream.indirect_vreg.scatter [tilespmem:s5], [sflag:$0x4], $0x80, v3, vm0, $0xb8;
	[tilespmem:$0x1D000] =	vst v63  }
0x358: {  	s7 =	simm.s32 $0x12000  }
0x359: {  	[hbm4b:s9+s4] =	stream.indirect_vreg.scatter [tilespmem:s7], [sflag:$0x4], $0x80, v3, vm0, $0xb8;
	[tilespmem:$0x1D000] =	vst v63  }
0x35a: {  	v3 =	vld [tilespmem:s14+$0x90];
	_ =	sdelay $0x4  }
0x35b: {  	v30 =	vshrl.u32 v3, $0x3  }
0x35c: {  	v4 =	vmul.u32 $0x30, v30  }
0x35d: {  	v3 =	vand.u32 $0x7, v3  }
0x35e: {  	v3 =	vor.u32 v3, v4  }
0x35f: {  	v4 =	vperm.xlane v3, v0;
	_ =	sdelay $0x1  }
0x360: {  	v4 =	vadd.s32 v1, v4;
	_ =	sdelay $0x3  }
0x361: {  	s12 =	simm.s32 $0x12800;
	v3 =	vperm.xlane v3, v2  }
0x362: {  	[hbm4b:s3+s4] =	stream.indirect_vreg.scatter [tilespmem:s12], [sflag:$0x4], $0x80, v4, vm0, $0xb8;
	[tilespmem:$0x1D000] =	vst v63  }
0x363: {  	s10 =	simm.s32 $0x13000;
	v3 =	vadd.s32 v1, v3  }
0x364: {  	[hbm4b:s8+s4] =	stream.indirect_vreg.scatter [tilespmem:s10], [sflag:$0x4], $0x80, v4, vm0, $0xb8;
	[tilespmem:$0x1D000] =	vst v63  }
0x365: {  	s11 =	simm.s32 $0x13800  }
0x366: {  	[hbm4b:s9+s4] =	stream.indirect_vreg.scatter [tilespmem:s11], [sflag:$0x4], $0x80, v4, vm0, $0xb8;
	[tilespmem:$0x1D000] =	vst v63  }
0x367: {  	s12 =	simm.s32 $0x14000  }
0x368: {  	[hbm4b:s3+s4] =	stream.indirect_vreg.scatter [tilespmem:s12], [sflag:$0x4], $0x80, v3, vm0, $0xb8;
	[tilespmem:$0x1D000] =	vst v63  }
0x369: {  	s13 =	simm.s32 $0x14800  }
0x36a: {  	[hbm4b:s8+s4] =	stream.indirect_vreg.scatter [tilespmem:s13], [sflag:$0x4], $0x80, v3, vm0, $0xb8;
	[tilespmem:$0x1D000] =	vst v63  }
0x36b: {  	s24 =	simm.s32 $0x15000  }
0x36c: {  	[hbm4b:s9+s4] =	stream.indirect_vreg.scatter [tilespmem:s24], [sflag:$0x4], $0x80, v3, vm0, $0xb8;
	[tilespmem:$0x1D000] =	vst v63  }
0x36d: {  	v3 =	vld [tilespmem:s14+$0xA0];
	_ =	sdelay $0x4  }
0x36e: {  	v31 =	vshrl.u32 v3, $0x3  }
0x36f: {  	v4 =	vmul.u32 $0x30, v31  }
0x370: {  	v3 =	vand.u32 $0x7, v3  }
0x371: {  	v3 =	vor.u32 v3, v4  }
0x372: {  	v4 =	vperm.xlane v3, v0;
	_ =	sdelay $0x1  }
0x373: {  	v4 =	vadd.s32 v1, v4;
	_ =	sdelay $0x3  }
0x374: {  	s25 =	simm.s32 $0x15800;
	v3 =	vperm.xlane v3, v2  }
0x375: {  	[hbm4b:s3+s4] =	stream.indirect_vreg.scatter [tilespmem:s25], [sflag:$0x4], $0x80, v4, vm0, $0xb8;
	[tilespmem:$0x1D000] =	vst v63  }
0x376: {  	s26 =	simm.s32 $0x16000;
	v3 =	vadd.s32 v1, v3  }
0x377: {  	[hbm4b:s8+s4] =	stream.indirect_vreg.scatter [tilespmem:s26], [sflag:$0x4], $0x80, v4, vm0, $0xb8;
	[tilespmem:$0x1D000] =	vst v63  }
0x378: {  	s28 =	simm.s32 $0x16800  }
0x379: {  	[hbm4b:s9+s4] =	stream.indirect_vreg.scatter [tilespmem:s28], [sflag:$0x4], $0x80, v4, vm0, $0xb8;
	[tilespmem:$0x1D000] =	vst v63  }
0x37a: {  	s20 =	simm.s32 $0x17000  }
0x37b: {  	[hbm4b:s3+s4] =	stream.indirect_vreg.scatter [tilespmem:s20], [sflag:$0x4], $0x80, v3, vm0, $0xb8;
	[tilespmem:$0x1D000] =	vst v63  }
0x37c: {  	s31 =	simm.s32 $0x17800  }
0x37d: {  	[hbm4b:s8+s4] =	stream.indirect_vreg.scatter [tilespmem:s31], [sflag:$0x4], $0x80, v3, vm0, $0xb8;
	[tilespmem:$0x1D000] =	vst v63  }
0x37e: {  	s0 =	simm.s32 $0x18000  }
0x37f: {  	[hbm4b:s9+s4] =	stream.indirect_vreg.scatter [tilespmem:s0], [sflag:$0x4], $0x80, v3, vm0, $0xb8;
	[tilespmem:$0x1D000] =	vst v63  }
0x380: {  	v3 =	vld [tilespmem:s14+$0xB0];
	_ =	sdelay $0x4  }
0x381: {  	v32 =	vshrl.u32 v3, $0x3  }
0x382: {  	v4 =	vmul.u32 $0x30, v32  }
0x383: {  	v3 =	vand.u32 $0x7, v3  }
0x384: {  	v3 =	vor.u32 v3, v4  }
0x385: {  	v4 =	vperm.xlane v3, v0;
	_ =	sdelay $0x1  }
0x386: {  	v4 =	vadd.s32 v1, v4;
	_ =	sdelay $0x3  }
0x387: {  	s2 =	simm.s32 $0x18800;
	v3 =	vperm.xlane v3, v2  }
0x388: {  	[hbm4b:s3+s4] =	stream.indirect_vreg.scatter [tilespmem:s2], [sflag:$0x4], $0x80, v4, vm0, $0xb8;
	[tilespmem:$0x1D000] =	vst v63  }
0x389: {  	s25 =	simm.s32 $0x19000;
	v3 =	vadd.s32 v1, v3  }
0x38a: {  	[hbm4b:s8+s4] =	stream.indirect_vreg.scatter [tilespmem:s25], [sflag:$0x4], $0x80, v4, vm0, $0xb8;
	[tilespmem:$0x1D000] =	vst v63  }
0x38b: {  	s26 =	simm.s32 $0x19800  }
0x38c: {  	[hbm4b:s9+s4] =	stream.indirect_vreg.scatter [tilespmem:s26], [sflag:$0x4], $0x80, v4, vm0, $0xb8;
	[tilespmem:$0x1D000] =	vst v63  }
0x38d: {  	s28 =	simm.s32 $0x1A000  }
0x38e: {  	[hbm4b:s3+s4] =	stream.indirect_vreg.scatter [tilespmem:s28], [sflag:$0x4], $0x80, v3, vm0, $0xb8;
	[tilespmem:$0x1D000] =	vst v63  }
0x38f: {  	s29 =	simm.s32 $0x1A800  }
0x390: {  	[hbm4b:s8+s4] =	stream.indirect_vreg.scatter [tilespmem:s29], [sflag:$0x4], $0x80, v3, vm0, $0xb8;
	[tilespmem:$0x1D000] =	vst v63  }
0x391: {  	s31 =	simm.s32 $0x1B000  }
0x392: {  	[hbm4b:s9+s4] =	stream.indirect_vreg.scatter [tilespmem:s31], [sflag:$0x4], $0x80, v3, vm0, $0xb8;
	[tilespmem:$0x1D000] =	vst v63  }
0x393: {  	v3 =	vld.msk [tilespmem:s14+$0xC0], $0xff;
	_ =	sdelay $0x4  }
0x394: {  	v33 =	vshrl.u32 v3, $0x3  }
0x395: {  	v4 =	vmul.u32 $0x30, v33  }
0x396: {  	v3 =	vand.u32 $0x7, v3  }
0x397: {  	v3 =	vor.u32 v3, v4  }
0x398: {  	v3 =	vperm.xlane v3, v0;
	_ =	sdelay $0x1  }
0x399: {  	v3 =	vadd.s32 v1, v3;
	_ =	sdelay $0x3  }
0x39a: {  	s2 =	simm.s32 $0x1B800  }
0x39b: {  	[hbm4b:s3+s4] =	stream.indirect_vreg.scatter [tilespmem:s2], [sflag:$0x4], $0x80, v3, vm0, $0xb8;
	[tilespmem:$0x1D000] =	vst v63  }
0x39c: {  	s30 =	simm.s32 $0x1C000  }
0x39d: {  	[hbm4b:s8+s4] =	stream.indirect_vreg.scatter [tilespmem:s30], [sflag:$0x4], $0x80, v3, vm0, $0xb8;
	[tilespmem:$0x1D000] =	vst v63  }
0x39e: {  	s6 =	simm.s32 $0x1C800  }
0x39f: {  	[hbm4b:s9+s4] =	stream.indirect_vreg.scatter [tilespmem:s6], [sflag:$0x4], $0x80, v3, vm0, $0xb8;
	[tilespmem:$0x1D000] =	vst v63  }
0x3a0: {  	v3 =	vld [tilespmem:s14+$0x100];
	_ =	sdelay $0x4  }
0x3a1: {  	v34 =	vshrl.u32 v3, $0x3  }
0x3a2: {  	v4 =	vmul.u32 $0x30, v34  }
0x3a3: {  	v3 =	vand.u32 $0x7, v3  }
0x3a4: {  	v3 =	vor.u32 v3, v4  }
0x3a5: {  	v4 =	vperm.xlane v3, v0;
	_ =	sdelay $0x1  }
0x3a6: {  	v4 =	vadd.s32 v1, v4;
	_ =	sdelay $0x3  }
0x3a7: {  	s23 =	simm.s32 $0xF800;
	v3 =	vperm.xlane v3, v2  }
0x3a8: {  	[hbm4b:s3+s4] =	stream.indirect_vreg.scatter [tilespmem:s23], [sflag:$0x4], $0x80, v4, vm0, $0xb8;
	[tilespmem:$0x1D000] =	vst v63  }
0x3a9: {  	v3 =	vadd.s32 v1, v3  }
0x3aa: {  	[hbm4b:s8+s4] =	stream.indirect_vreg.scatter [tilespmem:s1], [sflag:$0x4], $0x80, v4, vm0, $0xb8;
	[tilespmem:$0x1D000] =	vst v63  }
0x3ab: {  	_ = 	snop  }
0x3ac: {  	[hbm4b:s9+s4] =	stream.indirect_vreg.scatter [tilespmem:s18], [sflag:$0x4], $0x80, v4, vm0, $0xb8;
	[tilespmem:$0x1D000] =	vst v63  }
0x3ad: {  	s1 =	simm.s32 $0x11000  }
0x3ae: {  	[hbm4b:s3+s4] =	stream.indirect_vreg.scatter [tilespmem:s1], [sflag:$0x4], $0x80, v3, vm0, $0xb8;
	[tilespmem:$0x1D000] =	vst v63  }
0x3af: {  	_ = 	snop  }
0x3b0: {  	[hbm4b:s8+s4] =	stream.indirect_vreg.scatter [tilespmem:s5], [sflag:$0x4], $0x80, v3, vm0, $0xb8;
	[tilespmem:$0x1D000] =	vst v63  }
0x3b1: {  	_ = 	snop  }
0x3b2: {  	[hbm4b:s9+s4] =	stream.indirect_vreg.scatter [tilespmem:s7], [sflag:$0x4], $0x80, v3, vm0, $0xb8;
	[tilespmem:$0x1D000] =	vst v63  }
0x3b3: {  	v3 =	vld [tilespmem:s14+$0x110];
	_ =	sdelay $0x4  }
0x3b4: {  	v35 =	vshrl.u32 v3, $0x3  }
0x3b5: {  	v4 =	vmul.u32 $0x30, v35  }
0x3b6: {  	v3 =	vand.u32 $0x7, v3  }
0x3b7: {  	v3 =	vor.u32 v3, v4  }
0x3b8: {  	v4 =	vperm.xlane v3, v0;
	_ =	sdelay $0x1  }
0x3b9: {  	v4 =	vadd.s32 v1, v4;
	_ =	sdelay $0x3  }
0x3ba: {  	s19 =	simm.s32 $0x12800;
	v3 =	vperm.xlane v3, v2  }
0x3bb: {  	[hbm4b:s3+s4] =	stream.indirect_vreg.scatter [tilespmem:s19], [sflag:$0x4], $0x80, v4, vm0, $0xb8;
	[tilespmem:$0x1D000] =	vst v63  }
0x3bc: {  	v3 =	vadd.s32 v1, v3  }
0x3bd: {  	[hbm4b:s8+s4] =	stream.indirect_vreg.scatter [tilespmem:s10], [sflag:$0x4], $0x80, v4, vm0, $0xb8;
	[tilespmem:$0x1D000] =	vst v63  }
0x3be: {  	_ = 	snop  }
0x3bf: {  	[hbm4b:s9+s4] =	stream.indirect_vreg.scatter [tilespmem:s11], [sflag:$0x4], $0x80, v4, vm0, $0xb8;
	[tilespmem:$0x1D000] =	vst v63  }
0x3c0: {  	_ = 	snop  }
0x3c1: {  	[hbm4b:s3+s4] =	stream.indirect_vreg.scatter [tilespmem:s12], [sflag:$0x4], $0x80, v3, vm0, $0xb8;
	[tilespmem:$0x1D000] =	vst v63  }
0x3c2: {  	_ = 	snop  }
0x3c3: {  	[hbm4b:s8+s4] =	stream.indirect_vreg.scatter [tilespmem:s13], [sflag:$0x4], $0x80, v3, vm0, $0xb8;
	[tilespmem:$0x1D000] =	vst v63  }
0x3c4: {  	_ = 	snop  }
0x3c5: {  	[hbm4b:s9+s4] =	stream.indirect_vreg.scatter [tilespmem:s24], [sflag:$0x4], $0x80, v3, vm0, $0xb8;
	[tilespmem:$0x1D000] =	vst v63  }
0x3c6: {  	v3 =	vld [tilespmem:s14+$0x120];
	_ =	sdelay $0x4  }
0x3c7: {  	v36 =	vshrl.u32 v3, $0x3  }
0x3c8: {  	v4 =	vmul.u32 $0x30, v36  }
0x3c9: {  	v3 =	vand.u32 $0x7, v3  }
0x3ca: {  	v3 =	vor.u32 v3, v4  }
0x3cb: {  	v4 =	vperm.xlane v3, v0;
	_ =	sdelay $0x1  }
0x3cc: {  	v4 =	vadd.s32 v1, v4;
	_ =	sdelay $0x3  }
0x3cd: {  	s15 =	simm.s32 $0x15800;
	v3 =	vperm.xlane v3, v2  }
0x3ce: {  	[hbm4b:s3+s4] =	stream.indirect_vreg.scatter [tilespmem:s15], [sflag:$0x4], $0x80, v4, vm0, $0xb8;
	[tilespmem:$0x1D000] =	vst v63  }
0x3cf: {  	s16 =	simm.s32 $0x16000;
	v3 =	vadd.s32 v1, v3  }
0x3d0: {  	[hbm4b:s8+s4] =	stream.indirect_vreg.scatter [tilespmem:s16], [sflag:$0x4], $0x80, v4, vm0, $0xb8;
	[tilespmem:$0x1D000] =	vst v63  }
0x3d1: {  	s17 =	simm.s32 $0x16800  }
0x3d2: {  	[hbm4b:s9+s4] =	stream.indirect_vreg.scatter [tilespmem:s17], [sflag:$0x4], $0x80, v4, vm0, $0xb8;
	[tilespmem:$0x1D000] =	vst v63  }
0x3d3: {  	s21 =	simm.s32 $0x17000  }
0x3d4: {  	[hbm4b:s3+s4] =	stream.indirect_vreg.scatter [tilespmem:s21], [sflag:$0x4], $0x80, v3, vm0, $0xb8;
	[tilespmem:$0x1D000] =	vst v63  }
0x3d5: {  	s22 =	simm.s32 $0x17800  }
0x3d6: {  	[hbm4b:s8+s4] =	stream.indirect_vreg.scatter [tilespmem:s22], [sflag:$0x4], $0x80, v3, vm0, $0xb8;
	[tilespmem:$0x1D000] =	vst v63  }
0x3d7: {  	_ = 	snop  }
0x3d8: {  	[hbm4b:s9+s4] =	stream.indirect_vreg.scatter [tilespmem:s0], [sflag:$0x4], $0x80, v3, vm0, $0xb8;
	[tilespmem:$0x1D000] =	vst v63  }
0x3d9: {  	v3 =	vld [tilespmem:s14+$0x130];
	_ =	sdelay $0x4  }
0x3da: {  	v37 =	vshrl.u32 v3, $0x3  }
0x3db: {  	v4 =	vmul.u32 $0x30, v37  }
0x3dc: {  	v3 =	vand.u32 $0x7, v3  }
0x3dd: {  	v3 =	vor.u32 v3, v4  }
0x3de: {  	v4 =	vperm.xlane v3, v0;
	_ =	sdelay $0x1  }
0x3df: {  	v4 =	vadd.s32 v1, v4;
	_ =	sdelay $0x3  }
0x3e0: {  	s20 =	simm.s32 $0x18800;
	v3 =	vperm.xlane v3, v2  }
0x3e1: {  	[hbm4b:s3+s4] =	stream.indirect_vreg.scatter [tilespmem:s20], [sflag:$0x4], $0x80, v4, vm0, $0xb8;
	[tilespmem:$0x1D000] =	vst v63  }
0x3e2: {  	v3 =	vadd.s32 v1, v3  }
0x3e3: {  	[hbm4b:s8+s4] =	stream.indirect_vreg.scatter [tilespmem:s25], [sflag:$0x4], $0x80, v4, vm0, $0xb8;
	[tilespmem:$0x1D000] =	vst v63  }
0x3e4: {  	_ = 	snop  }
0x3e5: {  	[hbm4b:s9+s4] =	stream.indirect_vreg.scatter [tilespmem:s26], [sflag:$0x4], $0x80, v4, vm0, $0xb8;
	[tilespmem:$0x1D000] =	vst v63  }
0x3e6: {  	_ = 	snop  }
0x3e7: {  	[hbm4b:s3+s4] =	stream.indirect_vreg.scatter [tilespmem:s28], [sflag:$0x4], $0x80, v3, vm0, $0xb8;
	[tilespmem:$0x1D000] =	vst v63  }
0x3e8: {  	_ = 	snop  }
0x3e9: {  	[hbm4b:s8+s4] =	stream.indirect_vreg.scatter [tilespmem:s29], [sflag:$0x4], $0x80, v3, vm0, $0xb8;
	[tilespmem:$0x1D000] =	vst v63  }
0x3ea: {  	_ = 	snop  }
0x3eb: {  	[hbm4b:s9+s4] =	stream.indirect_vreg.scatter [tilespmem:s31], [sflag:$0x4], $0x80, v3, vm0, $0xb8;
	[tilespmem:$0x1D000] =	vst v63  }
0x3ec: {  	v3 =	vld.msk [tilespmem:s14+$0x140], $0xff;
	_ =	sdelay $0x4  }
0x3ed: {  	v38 =	vshrl.u32 v3, $0x3  }
0x3ee: {  	v4 =	vmul.u32 $0x30, v38  }
0x3ef: {  	v3 =	vand.u32 $0x7, v3  }
0x3f0: {  	v3 =	vor.u32 v3, v4  }
0x3f1: {  	v3 =	vperm.xlane v3, v0;
	_ =	sdelay $0x1  }
0x3f2: {  	v3 =	vadd.s32 v1, v3;
	_ =	sdelay $0x4  }
0x3f3: {  	[hbm4b:s3+s4] =	stream.indirect_vreg.scatter [tilespmem:s2], [sflag:$0x4], $0x80, v3, vm0, $0xb8;
	[tilespmem:$0x1D000] =	vst v63  }
0x3f4: {  	s30 =	simm.s32 $0x1C000  }
0x3f5: {  	[hbm4b:s8+s4] =	stream.indirect_vreg.scatter [tilespmem:s30], [sflag:$0x4], $0x80, v3, vm0, $0xb8;
	[tilespmem:$0x1D000] =	vst v63  }
0x3f6: {  	s6 =	simm.s32 $0x1C800  }
0x3f7: {  	[hbm4b:s9+s4] =	stream.indirect_vreg.scatter [tilespmem:s6], [sflag:$0x4], $0x80, v3, vm0, $0xb8;
	[tilespmem:$0x1D000] =	vst v63  }
0x3f8: {  	v3 =	vld [tilespmem:s14+$0x180];
	_ =	sdelay $0x4  }
0x3f9: {  	v39 =	vshrl.u32 v3, $0x3  }
0x3fa: {  	v4 =	vmul.u32 $0x30, v39  }
0x3fb: {  	v3 =	vand.u32 $0x7, v3  }
0x3fc: {  	v3 =	vor.u32 v3, v4  }
0x3fd: {  	v4 =	vperm.xlane v3, v0;
	_ =	sdelay $0x1  }
0x3fe: {  	v4 =	vadd.s32 v1, v4;
	_ =	sdelay $0x3  }
0x3ff: {  	s23 =	simm.s32 $0xF800;
	v3 =	vperm.xlane v3, v2  }
0x400: {  	[hbm4b:s3+s4] =	stream.indirect_vreg.scatter [tilespmem:s23], [sflag:$0x4], $0x80, v4, vm0, $0xb8;
	[tilespmem:$0x1D000] =	vst v63  }
0x401: {  	v3 =	vadd.s32 v1, v3;
	s23 =	simm.s32 $0x10000  }
0x402: {  	[hbm4b:s8+s4] =	stream.indirect_vreg.scatter [tilespmem:s23], [sflag:$0x4], $0x80, v4, vm0, $0xb8;
	[tilespmem:$0x1D000] =	vst v63  }
0x403: {  	s18 =	simm.s32 $0x10800  }
0x404: {  	[hbm4b:s9+s4] =	stream.indirect_vreg.scatter [tilespmem:s18], [sflag:$0x4], $0x80, v4, vm0, $0xb8;
	[tilespmem:$0x1D000] =	vst v63  }
0x405: {  	s30 =	simm.s32 $0x11000  }
0x406: {  	[hbm4b:s3+s4] =	stream.indirect_vreg.scatter [tilespmem:s30], [sflag:$0x4], $0x80, v3, vm0, $0xb8;
	[tilespmem:$0x1D000] =	vst v63  }
0x407: {  	s5 =	simm.s32 $0x11800  }
0x408: {  	[hbm4b:s8+s4] =	stream.indirect_vreg.scatter [tilespmem:s5], [sflag:$0x4], $0x80, v3, vm0, $0xb8;
	[tilespmem:$0x1D000] =	vst v63  }
0x409: {  	s7 =	simm.s32 $0x12000  }
0x40a: {  	[hbm4b:s9+s4] =	stream.indirect_vreg.scatter [tilespmem:s7], [sflag:$0x4], $0x80, v3, vm0, $0xb8;
	[tilespmem:$0x1D000] =	vst v63  }
0x40b: {  	v3 =	vld [tilespmem:s14+$0x190];
	_ =	sdelay $0x4  }
0x40c: {  	v40 =	vshrl.u32 v3, $0x3  }
0x40d: {  	v4 =	vmul.u32 $0x30, v40  }
0x40e: {  	v3 =	vand.u32 $0x7, v3  }
0x40f: {  	v3 =	vor.u32 v3, v4  }
0x410: {  	v4 =	vperm.xlane v3, v0;
	_ =	sdelay $0x1  }
0x411: {  	v4 =	vadd.s32 v1, v4;
	_ =	sdelay $0x3  }
0x412: {  	s23 =	simm.s32 $0x12800;
	v3 =	vperm.xlane v3, v2  }
0x413: {  	[hbm4b:s3+s4] =	stream.indirect_vreg.scatter [tilespmem:s23], [sflag:$0x4], $0x80, v4, vm0, $0xb8;
	[tilespmem:$0x1D000] =	vst v63  }
0x414: {  	s10 =	simm.s32 $0x13000;
	v3 =	vadd.s32 v1, v3  }
0x415: {  	[hbm4b:s8+s4] =	stream.indirect_vreg.scatter [tilespmem:s10], [sflag:$0x4], $0x80, v4, vm0, $0xb8;
	[tilespmem:$0x1D000] =	vst v63  }
0x416: {  	s11 =	simm.s32 $0x13800  }
0x417: {  	[hbm4b:s9+s4] =	stream.indirect_vreg.scatter [tilespmem:s11], [sflag:$0x4], $0x80, v4, vm0, $0xb8;
	[tilespmem:$0x1D000] =	vst v63  }
0x418: {  	s12 =	simm.s32 $0x14000  }
0x419: {  	[hbm4b:s3+s4] =	stream.indirect_vreg.scatter [tilespmem:s12], [sflag:$0x4], $0x80, v3, vm0, $0xb8;
	[tilespmem:$0x1D000] =	vst v63  }
0x41a: {  	s13 =	simm.s32 $0x14800  }
0x41b: {  	[hbm4b:s8+s4] =	stream.indirect_vreg.scatter [tilespmem:s13], [sflag:$0x4], $0x80, v3, vm0, $0xb8;
	[tilespmem:$0x1D000] =	vst v63  }
0x41c: {  	s19 =	simm.s32 $0x15000  }
0x41d: {  	[hbm4b:s9+s4] =	stream.indirect_vreg.scatter [tilespmem:s19], [sflag:$0x4], $0x80, v3, vm0, $0xb8;
	[tilespmem:$0x1D000] =	vst v63  }
0x41e: {  	v3 =	vld [tilespmem:s14+$0x1A0];
	_ =	sdelay $0x4  }
0x41f: {  	v41 =	vshrl.u32 v3, $0x3  }
0x420: {  	v4 =	vmul.u32 $0x30, v41  }
0x421: {  	v3 =	vand.u32 $0x7, v3  }
0x422: {  	v3 =	vor.u32 v3, v4  }
0x423: {  	v4 =	vperm.xlane v3, v0;
	_ =	sdelay $0x1  }
0x424: {  	v4 =	vadd.s32 v1, v4;
	_ =	sdelay $0x3  }
0x425: {  	s15 =	simm.s32 $0x15800;
	v3 =	vperm.xlane v3, v2  }
0x426: {  	[hbm4b:s3+s4] =	stream.indirect_vreg.scatter [tilespmem:s15], [sflag:$0x4], $0x80, v4, vm0, $0xb8;
	[tilespmem:$0x1D000] =	vst v63  }
0x427: {  	s16 =	simm.s32 $0x16000;
	v3 =	vadd.s32 v1, v3  }
0x428: {  	[hbm4b:s8+s4] =	stream.indirect_vreg.scatter [tilespmem:s16], [sflag:$0x4], $0x80, v4, vm0, $0xb8;
	[tilespmem:$0x1D000] =	vst v63  }
0x429: {  	s17 =	simm.s32 $0x16800  }
0x42a: {  	[hbm4b:s9+s4] =	stream.indirect_vreg.scatter [tilespmem:s17], [sflag:$0x4], $0x80, v4, vm0, $0xb8;
	[tilespmem:$0x1D000] =	vst v63  }
0x42b: {  	s21 =	simm.s32 $0x17000  }
0x42c: {  	[hbm4b:s3+s4] =	stream.indirect_vreg.scatter [tilespmem:s21], [sflag:$0x4], $0x80, v3, vm0, $0xb8;
	[tilespmem:$0x1D000] =	vst v63  }
0x42d: {  	s24 =	simm.s32 $0x17800  }
0x42e: {  	[hbm4b:s8+s4] =	stream.indirect_vreg.scatter [tilespmem:s24], [sflag:$0x4], $0x80, v3, vm0, $0xb8;
	[tilespmem:$0x1D000] =	vst v63  }
0x42f: {  	s21 =	simm.s32 $0x18000  }
0x430: {  	[hbm4b:s9+s4] =	stream.indirect_vreg.scatter [tilespmem:s21], [sflag:$0x4], $0x80, v3, vm0, $0xb8;
	[tilespmem:$0x1D000] =	vst v63  }
0x431: {  	v3 =	vld [tilespmem:s14+$0x1B0];
	_ =	sdelay $0x4  }
0x432: {  	v42 =	vshrl.u32 v3, $0x3  }
0x433: {  	v4 =	vmul.u32 $0x30, v42  }
0x434: {  	v3 =	vand.u32 $0x7, v3  }
0x435: {  	v3 =	vor.u32 v3, v4  }
0x436: {  	v4 =	vperm.xlane v3, v0;
	_ =	sdelay $0x1  }
0x437: {  	v4 =	vadd.s32 v1, v4;
	_ =	sdelay $0x3  }
0x438: {  	s20 =	simm.s32 $0x18800;
	v3 =	vperm.xlane v3, v2  }
0x439: {  	[hbm4b:s3+s4] =	stream.indirect_vreg.scatter [tilespmem:s20], [sflag:$0x4], $0x80, v4, vm0, $0xb8;
	[tilespmem:$0x1D000] =	vst v63  }
0x43a: {  	s0 =	simm.s32 $0x19000;
	v3 =	vadd.s32 v1, v3  }
0x43b: {  	[hbm4b:s8+s4] =	stream.indirect_vreg.scatter [tilespmem:s0], [sflag:$0x4], $0x80, v4, vm0, $0xb8;
	[tilespmem:$0x1D000] =	vst v63  }
0x43c: {  	s22 =	simm.s32 $0x19800  }
0x43d: {  	[hbm4b:s9+s4] =	stream.indirect_vreg.scatter [tilespmem:s22], [sflag:$0x4], $0x80, v4, vm0, $0xb8;
	[tilespmem:$0x1D000] =	vst v63  }
0x43e: {  	s25 =	simm.s32 $0x1A000  }
0x43f: {  	[hbm4b:s3+s4] =	stream.indirect_vreg.scatter [tilespmem:s25], [sflag:$0x4], $0x80, v3, vm0, $0xb8;
	[tilespmem:$0x1D000] =	vst v63  }
0x440: {  	s26 =	simm.s32 $0x1A800  }
0x441: {  	[hbm4b:s8+s4] =	stream.indirect_vreg.scatter [tilespmem:s26], [sflag:$0x4], $0x80, v3, vm0, $0xb8;
	[tilespmem:$0x1D000] =	vst v63  }
0x442: {  	s28 =	simm.s32 $0x1B000  }
0x443: {  	[hbm4b:s9+s4] =	stream.indirect_vreg.scatter [tilespmem:s28], [sflag:$0x4], $0x80, v3, vm0, $0xb8;
	[tilespmem:$0x1D000] =	vst v63  }
0x444: {  	v3 =	vld.msk [tilespmem:s14+$0x1C0], $0xff;
	_ =	sdelay $0x4  }
0x445: {  	v43 =	vshrl.u32 v3, $0x3  }
0x446: {  	v4 =	vmul.u32 $0x30, v43  }
0x447: {  	v3 =	vand.u32 $0x7, v3  }
0x448: {  	v3 =	vor.u32 v3, v4  }
0x449: {  	v3 =	vperm.xlane v3, v0;
	_ =	sdelay $0x1  }
0x44a: {  	v3 =	vadd.s32 v1, v3;
	_ =	sdelay $0x3  }
0x44b: {  	s29 =	simm.s32 $0x1B800  }
0x44c: {  	[hbm4b:s3+s4] =	stream.indirect_vreg.scatter [tilespmem:s29], [sflag:$0x4], $0x80, v3, vm0, $0xb8;
	[tilespmem:$0x1D000] =	vst v63  }
0x44d: {  	s2 =	simm.s32 $0x1C000  }
0x44e: {  	[hbm4b:s8+s4] =	stream.indirect_vreg.scatter [tilespmem:s2], [sflag:$0x4], $0x80, v3, vm0, $0xb8;
	[tilespmem:$0x1D000] =	vst v63  }
0x44f: {  	s6 =	simm.s32 $0x1C800  }
0x450: {  	[hbm4b:s9+s4] =	stream.indirect_vreg.scatter [tilespmem:s6], [sflag:$0x4], $0x80, v3, vm0, $0xb8;
	[tilespmem:$0x1D000] =	vst v63  }
0x451: {  	v3 =	vld [tilespmem:s14+$0x200];
	_ =	sdelay $0x4  }
0x452: {  	v44 =	vshrl.u32 v3, $0x3  }
0x453: {  	v4 =	vmul.u32 $0x30, v44  }
0x454: {  	v3 =	vand.u32 $0x7, v3  }
0x455: {  	v3 =	vor.u32 v3, v4  }
0x456: {  	v4 =	vperm.xlane v3, v0;
	_ =	sdelay $0x1  }
0x457: {  	v4 =	vadd.s32 v1, v4;
	_ =	sdelay $0x3  }
0x458: {  	s29 =	simm.s32 $0xF800;
	v3 =	vperm.xlane v3, v2  }
0x459: {  	[hbm4b:s3+s4] =	stream.indirect_vreg.scatter [tilespmem:s29], [sflag:$0x4], $0x80, v4, vm0, $0xb8;
	[tilespmem:$0x1D000] =	vst v63  }
0x45a: {  	s31 =	simm.s32 $0x10000;
	v3 =	vadd.s32 v1, v3  }
0x45b: {  	[hbm4b:s8+s4] =	stream.indirect_vreg.scatter [tilespmem:s31], [sflag:$0x4], $0x80, v4, vm0, $0xb8;
	[tilespmem:$0x1D000] =	vst v63  }
0x45c: {  	s18 =	simm.s32 $0x10800  }
0x45d: {  	[hbm4b:s9+s4] =	stream.indirect_vreg.scatter [tilespmem:s18], [sflag:$0x4], $0x80, v4, vm0, $0xb8;
	[tilespmem:$0x1D000] =	vst v63  }
0x45e: {  	s30 =	simm.s32 $0x11000  }
0x45f: {  	[hbm4b:s3+s4] =	stream.indirect_vreg.scatter [tilespmem:s30], [sflag:$0x4], $0x80, v3, vm0, $0xb8;
	[tilespmem:$0x1D000] =	vst v63  }
0x460: {  	s1 =	simm.s32 $0x11800  }
0x461: {  	[hbm4b:s8+s4] =	stream.indirect_vreg.scatter [tilespmem:s1], [sflag:$0x4], $0x80, v3, vm0, $0xb8;
	[tilespmem:$0x1D000] =	vst v63  }
0x462: {  	s7 =	simm.s32 $0x12000  }
0x463: {  	[hbm4b:s9+s4] =	stream.indirect_vreg.scatter [tilespmem:s7], [sflag:$0x4], $0x80, v3, vm0, $0xb8;
	[tilespmem:$0x1D000] =	vst v63  }
0x464: {  	v3 =	vld [tilespmem:s14+$0x210];
	_ =	sdelay $0x4  }
0x465: {  	v45 =	vshrl.u32 v3, $0x3  }
0x466: {  	v4 =	vmul.u32 $0x30, v45  }
0x467: {  	v3 =	vand.u32 $0x7, v3  }
0x468: {  	v3 =	vor.u32 v3, v4  }
0x469: {  	v4 =	vperm.xlane v3, v0;
	_ =	sdelay $0x1  }
0x46a: {  	v4 =	vadd.s32 v1, v4;
	_ =	sdelay $0x3  }
0x46b: {  	s5 =	simm.s32 $0x12800;
	v3 =	vperm.xlane v3, v2  }
0x46c: {  	[hbm4b:s3+s4] =	stream.indirect_vreg.scatter [tilespmem:s5], [sflag:$0x4], $0x80, v4, vm0, $0xb8;
	[tilespmem:$0x1D000] =	vst v63  }
0x46d: {  	s10 =	simm.s32 $0x13000;
	v3 =	vadd.s32 v1, v3  }
0x46e: {  	[hbm4b:s8+s4] =	stream.indirect_vreg.scatter [tilespmem:s10], [sflag:$0x4], $0x80, v4, vm0, $0xb8;
	[tilespmem:$0x1D000] =	vst v63  }
0x46f: {  	s11 =	simm.s32 $0x13800  }
0x470: {  	[hbm4b:s9+s4] =	stream.indirect_vreg.scatter [tilespmem:s11], [sflag:$0x4], $0x80, v4, vm0, $0xb8;
	[tilespmem:$0x1D000] =	vst v63  }
0x471: {  	s12 =	simm.s32 $0x14000  }
0x472: {  	[hbm4b:s3+s4] =	stream.indirect_vreg.scatter [tilespmem:s12], [sflag:$0x4], $0x80, v3, vm0, $0xb8;
	[tilespmem:$0x1D000] =	vst v63  }
0x473: {  	s13 =	simm.s32 $0x14800  }
0x474: {  	[hbm4b:s8+s4] =	stream.indirect_vreg.scatter [tilespmem:s13], [sflag:$0x4], $0x80, v3, vm0, $0xb8;
	[tilespmem:$0x1D000] =	vst v63  }
0x475: {  	s19 =	simm.s32 $0x15000  }
0x476: {  	[hbm4b:s9+s4] =	stream.indirect_vreg.scatter [tilespmem:s19], [sflag:$0x4], $0x80, v3, vm0, $0xb8;
	[tilespmem:$0x1D000] =	vst v63  }
0x477: {  	v3 =	vld [tilespmem:s14+$0x220];
	_ =	sdelay $0x4  }
0x478: {  	v46 =	vshrl.u32 v3, $0x3  }
0x479: {  	v4 =	vmul.u32 $0x30, v46  }
0x47a: {  	v3 =	vand.u32 $0x7, v3  }
0x47b: {  	v3 =	vor.u32 v3, v4  }
0x47c: {  	v4 =	vperm.xlane v3, v0;
	_ =	sdelay $0x1  }
0x47d: {  	v4 =	vadd.s32 v1, v4;
	_ =	sdelay $0x3  }
0x47e: {  	s15 =	simm.s32 $0x15800;
	v3 =	vperm.xlane v3, v2  }
0x47f: {  	[hbm4b:s3+s4] =	stream.indirect_vreg.scatter [tilespmem:s15], [sflag:$0x4], $0x80, v4, vm0, $0xb8;
	[tilespmem:$0x1D000] =	vst v63  }
0x480: {  	s16 =	simm.s32 $0x16000;
	v3 =	vadd.s32 v1, v3  }
0x481: {  	[hbm4b:s8+s4] =	stream.indirect_vreg.scatter [tilespmem:s16], [sflag:$0x4], $0x80, v4, vm0, $0xb8;
	[tilespmem:$0x1D000] =	vst v63  }
0x482: {  	s17 =	simm.s32 $0x16800  }
0x483: {  	[hbm4b:s9+s4] =	stream.indirect_vreg.scatter [tilespmem:s17], [sflag:$0x4], $0x80, v4, vm0, $0xb8;
	[tilespmem:$0x1D000] =	vst v63  }
0x484: {  	s23 =	simm.s32 $0x17000  }
0x485: {  	[hbm4b:s3+s4] =	stream.indirect_vreg.scatter [tilespmem:s23], [sflag:$0x4], $0x80, v3, vm0, $0xb8;
	[tilespmem:$0x1D000] =	vst v63  }
0x486: {  	s24 =	simm.s32 $0x17800  }
0x487: {  	[hbm4b:s8+s4] =	stream.indirect_vreg.scatter [tilespmem:s24], [sflag:$0x4], $0x80, v3, vm0, $0xb8;
	[tilespmem:$0x1D000] =	vst v63  }
0x488: {  	s19 =	simm.s32 $0x18000  }
0x489: {  	[hbm4b:s9+s4] =	stream.indirect_vreg.scatter [tilespmem:s19], [sflag:$0x4], $0x80, v3, vm0, $0xb8;
	[tilespmem:$0x1D000] =	vst v63  }
0x48a: {  	v3 =	vld [tilespmem:s14+$0x230];
	_ =	sdelay $0x4  }
0x48b: {  	v47 =	vshrl.u32 v3, $0x3  }
0x48c: {  	v4 =	vmul.u32 $0x30, v47  }
0x48d: {  	v3 =	vand.u32 $0x7, v3  }
0x48e: {  	v3 =	vor.u32 v3, v4  }
0x48f: {  	v4 =	vperm.xlane v3, v0;
	_ =	sdelay $0x1  }
0x490: {  	v4 =	vadd.s32 v1, v4;
	_ =	sdelay $0x3  }
0x491: {  	s20 =	simm.s32 $0x18800;
	v3 =	vperm.xlane v3, v2  }
0x492: {  	[hbm4b:s3+s4] =	stream.indirect_vreg.scatter [tilespmem:s20], [sflag:$0x4], $0x80, v4, vm0, $0xb8;
	[tilespmem:$0x1D000] =	vst v63  }
0x493: {  	s0 =	simm.s32 $0x19000;
	v3 =	vadd.s32 v1, v3  }
0x494: {  	[hbm4b:s8+s4] =	stream.indirect_vreg.scatter [tilespmem:s0], [sflag:$0x4], $0x80, v4, vm0, $0xb8;
	[tilespmem:$0x1D000] =	vst v63  }
0x495: {  	s21 =	simm.s32 $0x19800  }
0x496: {  	[hbm4b:s9+s4] =	stream.indirect_vreg.scatter [tilespmem:s21], [sflag:$0x4], $0x80, v4, vm0, $0xb8;
	[tilespmem:$0x1D000] =	vst v63  }
0x497: {  	s22 =	simm.s32 $0x1A000  }
0x498: {  	[hbm4b:s3+s4] =	stream.indirect_vreg.scatter [tilespmem:s22], [sflag:$0x4], $0x80, v3, vm0, $0xb8;
	[tilespmem:$0x1D000] =	vst v63  }
0x499: {  	s25 =	simm.s32 $0x1A800  }
0x49a: {  	[hbm4b:s8+s4] =	stream.indirect_vreg.scatter [tilespmem:s25], [sflag:$0x4], $0x80, v3, vm0, $0xb8;
	[tilespmem:$0x1D000] =	vst v63  }
0x49b: {  	s26 =	simm.s32 $0x1B000  }
0x49c: {  	[hbm4b:s9+s4] =	stream.indirect_vreg.scatter [tilespmem:s26], [sflag:$0x4], $0x80, v3, vm0, $0xb8;
	[tilespmem:$0x1D000] =	vst v63  }
0x49d: {  	v3 =	vld.msk [tilespmem:s14+$0x240], $0xff;
	_ =	sdelay $0x4  }
0x49e: {  	v48 =	vshrl.u32 v3, $0x3  }
0x49f: {  	v4 =	vmul.u32 $0x30, v48  }
0x4a0: {  	v3 =	vand.u32 $0x7, v3  }
0x4a1: {  	v3 =	vor.u32 v3, v4  }
0x4a2: {  	v3 =	vperm.xlane v3, v0;
	_ =	sdelay $0x1  }
0x4a3: {  	v3 =	vadd.s32 v1, v3;
	_ =	sdelay $0x3  }
0x4a4: {  	s28 =	simm.s32 $0x1B800  }
0x4a5: {  	[hbm4b:s3+s4] =	stream.indirect_vreg.scatter [tilespmem:s28], [sflag:$0x4], $0x80, v3, vm0, $0xb8;
	[tilespmem:$0x1D000] =	vst v63  }
0x4a6: {  	s2 =	simm.s32 $0x1C000  }
0x4a7: {  	[hbm4b:s8+s4] =	stream.indirect_vreg.scatter [tilespmem:s2], [sflag:$0x4], $0x80, v3, vm0, $0xb8;
	[tilespmem:$0x1D000] =	vst v63  }
0x4a8: {  	s6 =	simm.s32 $0x1C800  }
0x4a9: {  	[hbm4b:s9+s4] =	stream.indirect_vreg.scatter [tilespmem:s6], [sflag:$0x4], $0x80, v3, vm0, $0xb8;
	[tilespmem:$0x1D000] =	vst v63  }
0x4aa: {  	v3 =	vld [tilespmem:s14+$0x280];
	_ =	sdelay $0x4  }
0x4ab: {  	v49 =	vshrl.u32 v3, $0x3  }
0x4ac: {  	v4 =	vmul.u32 $0x30, v49  }
0x4ad: {  	v3 =	vand.u32 $0x7, v3  }
0x4ae: {  	v3 =	vor.u32 v3, v4  }
0x4af: {  	v4 =	vperm.xlane v3, v0;
	_ =	sdelay $0x1  }
0x4b0: {  	v4 =	vadd.s32 v1, v4;
	_ =	sdelay $0x3  }
0x4b1: {  	s28 =	simm.s32 $0xF800;
	v3 =	vperm.xlane v3, v2  }
0x4b2: {  	[hbm4b:s3+s4] =	stream.indirect_vreg.scatter [tilespmem:s28], [sflag:$0x4], $0x80, v4, vm0, $0xb8;
	[tilespmem:$0x1D000] =	vst v63  }
0x4b3: {  	s26 =	simm.s32 $0x10000;
	v3 =	vadd.s32 v1, v3  }
0x4b4: {  	[hbm4b:s8+s4] =	stream.indirect_vreg.scatter [tilespmem:s26], [sflag:$0x4], $0x80, v4, vm0, $0xb8;
	[tilespmem:$0x1D000] =	vst v63  }
0x4b5: {  	s31 =	simm.s32 $0x10800  }
0x4b6: {  	[hbm4b:s9+s4] =	stream.indirect_vreg.scatter [tilespmem:s31], [sflag:$0x4], $0x80, v4, vm0, $0xb8;
	[tilespmem:$0x1D000] =	vst v63  }
0x4b7: {  	s30 =	simm.s32 $0x11000  }
0x4b8: {  	[hbm4b:s3+s4] =	stream.indirect_vreg.scatter [tilespmem:s30], [sflag:$0x4], $0x80, v3, vm0, $0xb8;
	[tilespmem:$0x1D000] =	vst v63  }
0x4b9: {  	s1 =	simm.s32 $0x11800  }
0x4ba: {  	[hbm4b:s8+s4] =	stream.indirect_vreg.scatter [tilespmem:s1], [sflag:$0x4], $0x80, v3, vm0, $0xb8;
	[tilespmem:$0x1D000] =	vst v63  }
0x4bb: {  	s7 =	simm.s32 $0x12000  }
0x4bc: {  	[hbm4b:s9+s4] =	stream.indirect_vreg.scatter [tilespmem:s7], [sflag:$0x4], $0x80, v3, vm0, $0xb8;
	[tilespmem:$0x1D000] =	vst v63  }
0x4bd: {  	v3 =	vld [tilespmem:s14+$0x290];
	_ =	sdelay $0x4  }
0x4be: {  	v50 =	vshrl.u32 v3, $0x3  }
0x4bf: {  	v4 =	vmul.u32 $0x30, v50  }
0x4c0: {  	v3 =	vand.u32 $0x7, v3  }
0x4c1: {  	v3 =	vor.u32 v3, v4  }
0x4c2: {  	v4 =	vperm.xlane v3, v0;
	_ =	sdelay $0x1  }
0x4c3: {  	v4 =	vadd.s32 v1, v4;
	_ =	sdelay $0x3  }
0x4c4: {  	s29 =	simm.s32 $0x12800;
	v3 =	vperm.xlane v3, v2  }
0x4c5: {  	[hbm4b:s3+s4] =	stream.indirect_vreg.scatter [tilespmem:s29], [sflag:$0x4], $0x80, v4, vm0, $0xb8;
	[tilespmem:$0x1D000] =	vst v63  }
0x4c6: {  	s10 =	simm.s32 $0x13000;
	v3 =	vadd.s32 v1, v3  }
0x4c7: {  	[hbm4b:s8+s4] =	stream.indirect_vreg.scatter [tilespmem:s10], [sflag:$0x4], $0x80, v4, vm0, $0xb8;
	[tilespmem:$0x1D000] =	vst v63  }
0x4c8: {  	s5 =	simm.s32 $0x13800  }
0x4c9: {  	[hbm4b:s9+s4] =	stream.indirect_vreg.scatter [tilespmem:s5], [sflag:$0x4], $0x80, v4, vm0, $0xb8;
	[tilespmem:$0x1D000] =	vst v63  }
0x4ca: {  	s11 =	simm.s32 $0x14000  }
0x4cb: {  	[hbm4b:s3+s4] =	stream.indirect_vreg.scatter [tilespmem:s11], [sflag:$0x4], $0x80, v3, vm0, $0xb8;
	[tilespmem:$0x1D000] =	vst v63  }
0x4cc: {  	s12 =	simm.s32 $0x14800  }
0x4cd: {  	[hbm4b:s8+s4] =	stream.indirect_vreg.scatter [tilespmem:s12], [sflag:$0x4], $0x80, v3, vm0, $0xb8;
	[tilespmem:$0x1D000] =	vst v63  }
0x4ce: {  	s13 =	simm.s32 $0x15000  }
0x4cf: {  	[hbm4b:s9+s4] =	stream.indirect_vreg.scatter [tilespmem:s13], [sflag:$0x4], $0x80, v3, vm0, $0xb8;
	[tilespmem:$0x1D000] =	vst v63  }
0x4d0: {  	v3 =	vld [tilespmem:s14+$0x2A0];
	_ =	sdelay $0x4  }
0x4d1: {  	v51 =	vshrl.u32 v3, $0x3  }
0x4d2: {  	v4 =	vmul.u32 $0x30, v51  }
0x4d3: {  	v3 =	vand.u32 $0x7, v3  }
0x4d4: {  	v3 =	vor.u32 v3, v4  }
0x4d5: {  	v4 =	vperm.xlane v3, v0;
	_ =	sdelay $0x1  }
0x4d6: {  	v4 =	vadd.s32 v1, v4;
	_ =	sdelay $0x3  }
0x4d7: {  	s15 =	simm.s32 $0x15800;
	v3 =	vperm.xlane v3, v2  }
0x4d8: {  	[hbm4b:s3+s4] =	stream.indirect_vreg.scatter [tilespmem:s15], [sflag:$0x4], $0x80, v4, vm0, $0xb8;
	[tilespmem:$0x1D000] =	vst v63  }
0x4d9: {  	s16 =	simm.s32 $0x16000;
	v3 =	vadd.s32 v1, v3  }
0x4da: {  	[hbm4b:s8+s4] =	stream.indirect_vreg.scatter [tilespmem:s16], [sflag:$0x4], $0x80, v4, vm0, $0xb8;
	[tilespmem:$0x1D000] =	vst v63  }
0x4db: {  	s17 =	simm.s32 $0x16800  }
0x4dc: {  	[hbm4b:s9+s4] =	stream.indirect_vreg.scatter [tilespmem:s17], [sflag:$0x4], $0x80, v4, vm0, $0xb8;
	[tilespmem:$0x1D000] =	vst v63  }
0x4dd: {  	s23 =	simm.s32 $0x17000  }
0x4de: {  	[hbm4b:s3+s4] =	stream.indirect_vreg.scatter [tilespmem:s23], [sflag:$0x4], $0x80, v3, vm0, $0xb8;
	[tilespmem:$0x1D000] =	vst v63  }
0x4df: {  	s24 =	simm.s32 $0x17800  }
0x4e0: {  	[hbm4b:s8+s4] =	stream.indirect_vreg.scatter [tilespmem:s24], [sflag:$0x4], $0x80, v3, vm0, $0xb8;
	[tilespmem:$0x1D000] =	vst v63  }
0x4e1: {  	s17 =	simm.s32 $0x18000  }
0x4e2: {  	[hbm4b:s9+s4] =	stream.indirect_vreg.scatter [tilespmem:s17], [sflag:$0x4], $0x80, v3, vm0, $0xb8;
	[tilespmem:$0x1D000] =	vst v63  }
0x4e3: {  	v3 =	vld [tilespmem:s14+$0x2B0];
	_ =	sdelay $0x4  }
0x4e4: {  	v52 =	vshrl.u32 v3, $0x3  }
0x4e5: {  	v4 =	vmul.u32 $0x30, v52  }
0x4e6: {  	v3 =	vand.u32 $0x7, v3  }
0x4e7: {  	v3 =	vor.u32 v3, v4  }
0x4e8: {  	v4 =	vperm.xlane v3, v0;
	_ =	sdelay $0x1  }
0x4e9: {  	v4 =	vadd.s32 v1, v4;
	_ =	sdelay $0x3  }
0x4ea: {  	s18 =	simm.s32 $0x18800;
	v3 =	vperm.xlane v3, v2  }
0x4eb: {  	[hbm4b:s3+s4] =	stream.indirect_vreg.scatter [tilespmem:s18], [sflag:$0x4], $0x80, v4, vm0, $0xb8;
	[tilespmem:$0x1D000] =	vst v63  }
0x4ec: {  	s0 =	simm.s32 $0x19000;
	v3 =	vadd.s32 v1, v3  }
0x4ed: {  	[hbm4b:s8+s4] =	stream.indirect_vreg.scatter [tilespmem:s0], [sflag:$0x4], $0x80, v4, vm0, $0xb8;
	[tilespmem:$0x1D000] =	vst v63  }
0x4ee: {  	s19 =	simm.s32 $0x19800  }
0x4ef: {  	[hbm4b:s9+s4] =	stream.indirect_vreg.scatter [tilespmem:s19], [sflag:$0x4], $0x80, v4, vm0, $0xb8;
	[tilespmem:$0x1D000] =	vst v63  }
0x4f0: {  	s20 =	simm.s32 $0x1A000  }
0x4f1: {  	[hbm4b:s3+s4] =	stream.indirect_vreg.scatter [tilespmem:s20], [sflag:$0x4], $0x80, v3, vm0, $0xb8;
	[tilespmem:$0x1D000] =	vst v63  }
0x4f2: {  	s21 =	simm.s32 $0x1A800  }
0x4f3: {  	[hbm4b:s8+s4] =	stream.indirect_vreg.scatter [tilespmem:s21], [sflag:$0x4], $0x80, v3, vm0, $0xb8;
	[tilespmem:$0x1D000] =	vst v63  }
0x4f4: {  	s22 =	simm.s32 $0x1B000  }
0x4f5: {  	[hbm4b:s9+s4] =	stream.indirect_vreg.scatter [tilespmem:s22], [sflag:$0x4], $0x80, v3, vm0, $0xb8;
	[tilespmem:$0x1D000] =	vst v63  }
0x4f6: {  	v3 =	vld.msk [tilespmem:s14+$0x2C0], $0xff;
	_ =	sdelay $0x4  }
0x4f7: {  	v53 =	vshrl.u32 v3, $0x3  }
0x4f8: {  	v4 =	vmul.u32 $0x30, v53  }
0x4f9: {  	v3 =	vand.u32 $0x7, v3  }
0x4fa: {  	v3 =	vor.u32 v3, v4  }
0x4fb: {  	v3 =	vperm.xlane v3, v0;
	_ =	sdelay $0x1  }
0x4fc: {  	v3 =	vadd.s32 v1, v3;
	_ =	sdelay $0x3  }
0x4fd: {  	s25 =	simm.s32 $0x1B800  }
0x4fe: {  	[hbm4b:s3+s4] =	stream.indirect_vreg.scatter [tilespmem:s25], [sflag:$0x4], $0x80, v3, vm0, $0xb8;
	[tilespmem:$0x1D000] =	vst v63  }
0x4ff: {  	s2 =	simm.s32 $0x1C000  }
0x500: {  	[hbm4b:s8+s4] =	stream.indirect_vreg.scatter [tilespmem:s2], [sflag:$0x4], $0x80, v3, vm0, $0xb8;
	[tilespmem:$0x1D000] =	vst v63  }
0x501: {  	s6 =	simm.s32 $0x1C800  }
0x502: {  	[hbm4b:s9+s4] =	stream.indirect_vreg.scatter [tilespmem:s6], [sflag:$0x4], $0x80, v3, vm0, $0xb8;
	[tilespmem:$0x1D000] =	vst v63  }
0x503: {  	v3 =	vld [tilespmem:s14+$0x300];
	_ =	sdelay $0x4  }
0x504: {  	v54 =	vshrl.u32 v3, $0x3  }
0x505: {  	v4 =	vmul.u32 $0x30, v54  }
0x506: {  	v3 =	vand.u32 $0x7, v3  }
0x507: {  	v3 =	vor.u32 v3, v4  }
0x508: {  	v4 =	vperm.xlane v3, v0;
	_ =	sdelay $0x1  }
0x509: {  	v4 =	vadd.s32 v1, v4;
	_ =	sdelay $0x3  }
0x50a: {  	s28 =	simm.s32 $0xF800;
	v3 =	vperm.xlane v3, v2  }
0x50b: {  	[hbm4b:s3+s4] =	stream.indirect_vreg.scatter [tilespmem:s28], [sflag:$0x4], $0x80, v4, vm0, $0xb8;
	[tilespmem:$0x1D000] =	vst v63  }
0x50c: {  	s26 =	simm.s32 $0x10000;
	v3 =	vadd.s32 v1, v3  }
0x50d: {  	[hbm4b:s8+s4] =	stream.indirect_vreg.scatter [tilespmem:s26], [sflag:$0x4], $0x80, v4, vm0, $0xb8;
	[tilespmem:$0x1D000] =	vst v63  }
0x50e: {  	s26 =	simm.s32 $0x10800  }
0x50f: {  	[hbm4b:s9+s4] =	stream.indirect_vreg.scatter [tilespmem:s26], [sflag:$0x4], $0x80, v4, vm0, $0xb8;
	[tilespmem:$0x1D000] =	vst v63  }
0x510: {  	s28 =	simm.s32 $0x11000  }
0x511: {  	[hbm4b:s3+s4] =	stream.indirect_vreg.scatter [tilespmem:s28], [sflag:$0x4], $0x80, v3, vm0, $0xb8;
	[tilespmem:$0x1D000] =	vst v63  }
0x512: {  	s31 =	simm.s32 $0x11800  }
0x513: {  	[hbm4b:s8+s4] =	stream.indirect_vreg.scatter [tilespmem:s31], [sflag:$0x4], $0x80, v3, vm0, $0xb8;
	[tilespmem:$0x1D000] =	vst v63  }
0x514: {  	s1 =	simm.s32 $0x12000  }
0x515: {  	[hbm4b:s9+s4] =	stream.indirect_vreg.scatter [tilespmem:s1], [sflag:$0x4], $0x80, v3, vm0, $0xb8;
	[tilespmem:$0x1D000] =	vst v63  }
0x516: {  	v3 =	vld [tilespmem:s14+$0x310];
	_ =	sdelay $0x4  }
0x517: {  	v55 =	vshrl.u32 v3, $0x3  }
0x518: {  	v4 =	vmul.u32 $0x30, v55  }
0x519: {  	v3 =	vand.u32 $0x7, v3  }
0x51a: {  	v3 =	vor.u32 v3, v4  }
0x51b: {  	v4 =	vperm.xlane v3, v0;
	_ =	sdelay $0x1  }
0x51c: {  	v4 =	vadd.s32 v1, v4;
	_ =	sdelay $0x3  }
0x51d: {  	s30 =	simm.s32 $0x12800;
	v3 =	vperm.xlane v3, v2  }
0x51e: {  	[hbm4b:s3+s4] =	stream.indirect_vreg.scatter [tilespmem:s30], [sflag:$0x4], $0x80, v4, vm0, $0xb8;
	[tilespmem:$0x1D000] =	vst v63  }
0x51f: {  	s29 =	simm.s32 $0x13000;
	v3 =	vadd.s32 v1, v3  }
0x520: {  	[hbm4b:s8+s4] =	stream.indirect_vreg.scatter [tilespmem:s29], [sflag:$0x4], $0x80, v4, vm0, $0xb8;
	[tilespmem:$0x1D000] =	vst v63  }
0x521: {  	s10 =	simm.s32 $0x13800  }
0x522: {  	[hbm4b:s9+s4] =	stream.indirect_vreg.scatter [tilespmem:s10], [sflag:$0x4], $0x80, v4, vm0, $0xb8;
	[tilespmem:$0x1D000] =	vst v63  }
0x523: {  	s7 =	simm.s32 $0x14000  }
0x524: {  	[hbm4b:s3+s4] =	stream.indirect_vreg.scatter [tilespmem:s7], [sflag:$0x4], $0x80, v3, vm0, $0xb8;
	[tilespmem:$0x1D000] =	vst v63  }
0x525: {  	s11 =	simm.s32 $0x14800  }
0x526: {  	[hbm4b:s8+s4] =	stream.indirect_vreg.scatter [tilespmem:s11], [sflag:$0x4], $0x80, v3, vm0, $0xb8;
	[tilespmem:$0x1D000] =	vst v63  }
0x527: {  	s12 =	simm.s32 $0x15000  }
0x528: {  	[hbm4b:s9+s4] =	stream.indirect_vreg.scatter [tilespmem:s12], [sflag:$0x4], $0x80, v3, vm0, $0xb8;
	[tilespmem:$0x1D000] =	vst v63  }
0x529: {  	v3 =	vld [tilespmem:s14+$0x320];
	_ =	sdelay $0x4  }
0x52a: {  	v56 =	vshrl.u32 v3, $0x3  }
0x52b: {  	v4 =	vmul.u32 $0x30, v56  }
0x52c: {  	v3 =	vand.u32 $0x7, v3  }
0x52d: {  	v3 =	vor.u32 v3, v4  }
0x52e: {  	v4 =	vperm.xlane v3, v0;
	_ =	sdelay $0x1  }
0x52f: {  	v4 =	vadd.s32 v1, v4;
	_ =	sdelay $0x3  }
0x530: {  	s13 =	simm.s32 $0x15800;
	v3 =	vperm.xlane v3, v2  }
0x531: {  	[hbm4b:s3+s4] =	stream.indirect_vreg.scatter [tilespmem:s13], [sflag:$0x4], $0x80, v4, vm0, $0xb8;
	[tilespmem:$0x1D000] =	vst v63  }
0x532: {  	s15 =	simm.s32 $0x16000;
	v3 =	vadd.s32 v1, v3  }
0x533: {  	[hbm4b:s8+s4] =	stream.indirect_vreg.scatter [tilespmem:s15], [sflag:$0x4], $0x80, v4, vm0, $0xb8;
	[tilespmem:$0x1D000] =	vst v63  }
0x534: {  	s16 =	simm.s32 $0x16800  }
0x535: {  	[hbm4b:s9+s4] =	stream.indirect_vreg.scatter [tilespmem:s16], [sflag:$0x4], $0x80, v4, vm0, $0xb8;
	[tilespmem:$0x1D000] =	vst v63  }
0x536: {  	s23 =	simm.s32 $0x17000  }
0x537: {  	[hbm4b:s3+s4] =	stream.indirect_vreg.scatter [tilespmem:s23], [sflag:$0x4], $0x80, v3, vm0, $0xb8;
	[tilespmem:$0x1D000] =	vst v63  }
0x538: {  	s24 =	simm.s32 $0x17800  }
0x539: {  	[hbm4b:s8+s4] =	stream.indirect_vreg.scatter [tilespmem:s24], [sflag:$0x4], $0x80, v3, vm0, $0xb8;
	[tilespmem:$0x1D000] =	vst v63  }
0x53a: {  	s15 =	simm.s32 $0x18000  }
0x53b: {  	[hbm4b:s9+s4] =	stream.indirect_vreg.scatter [tilespmem:s15], [sflag:$0x4], $0x80, v3, vm0, $0xb8;
	[tilespmem:$0x1D000] =	vst v63  }
0x53c: {  	v3 =	vld [tilespmem:s14+$0x330];
	_ =	sdelay $0x4  }
0x53d: {  	v57 =	vshrl.u32 v3, $0x3  }
0x53e: {  	v4 =	vmul.u32 $0x30, v57  }
0x53f: {  	v3 =	vand.u32 $0x7, v3  }
0x540: {  	v3 =	vor.u32 v3, v4  }
0x541: {  	v4 =	vperm.xlane v3, v0;
	_ =	sdelay $0x1  }
0x542: {  	v4 =	vadd.s32 v1, v4;
	_ =	sdelay $0x3  }
0x543: {  	s17 =	simm.s32 $0x18800;
	v3 =	vperm.xlane v3, v2  }
0x544: {  	[hbm4b:s3+s4] =	stream.indirect_vreg.scatter [tilespmem:s17], [sflag:$0x4], $0x80, v4, vm0, $0xb8;
	[tilespmem:$0x1D000] =	vst v63  }
0x545: {  	s0 =	simm.s32 $0x19000;
	v3 =	vadd.s32 v1, v3  }
0x546: {  	[hbm4b:s8+s4] =	stream.indirect_vreg.scatter [tilespmem:s0], [sflag:$0x4], $0x80, v4, vm0, $0xb8;
	[tilespmem:$0x1D000] =	vst v63  }
0x547: {  	s5 =	simm.s32 $0x19800  }
0x548: {  	[hbm4b:s9+s4] =	stream.indirect_vreg.scatter [tilespmem:s5], [sflag:$0x4], $0x80, v4, vm0, $0xb8;
	[tilespmem:$0x1D000] =	vst v63  }
0x549: {  	s24 =	simm.s32 $0x1A000  }
0x54a: {  	[hbm4b:s3+s4] =	stream.indirect_vreg.scatter [tilespmem:s24], [sflag:$0x4], $0x80, v3, vm0, $0xb8;
	[tilespmem:$0x1D000] =	vst v63  }
0x54b: {  	s29 =	simm.s32 $0x1A800  }
0x54c: {  	[hbm4b:s8+s4] =	stream.indirect_vreg.scatter [tilespmem:s29], [sflag:$0x4], $0x80, v3, vm0, $0xb8;
	[tilespmem:$0x1D000] =	vst v63  }
0x54d: {  	s22 =	simm.s32 $0x1B000  }
0x54e: {  	[hbm4b:s9+s4] =	stream.indirect_vreg.scatter [tilespmem:s22], [sflag:$0x4], $0x80, v3, vm0, $0xb8;
	[tilespmem:$0x1D000] =	vst v63  }
0x54f: {  	v3 =	vld.msk [tilespmem:s14+$0x340], $0xff;
	_ =	sdelay $0x4  }
0x550: {  	v58 =	vshrl.u32 v3, $0x3  }
0x551: {  	v4 =	vmul.u32 $0x30, v58  }
0x552: {  	v3 =	vand.u32 $0x7, v3  }
0x553: {  	v3 =	vor.u32 v3, v4  }
0x554: {  	v3 =	vperm.xlane v3, v0;
	_ =	sdelay $0x1  }
0x555: {  	v3 =	vadd.s32 v1, v3;
	_ =	sdelay $0x3  }
0x556: {  	s31 =	simm.s32 $0x1B800  }
0x557: {  	[hbm4b:s3+s4] =	stream.indirect_vreg.scatter [tilespmem:s31], [sflag:$0x4], $0x80, v3, vm0, $0xb8;
	[tilespmem:$0x1D000] =	vst v63  }
0x558: {  	s29 =	simm.s32 $0x1C000  }
0x559: {  	[hbm4b:s8+s4] =	stream.indirect_vreg.scatter [tilespmem:s29], [sflag:$0x4], $0x80, v3, vm0, $0xb8;
	[tilespmem:$0x1D000] =	vst v63  }
0x55a: {  	s29 =	simm.s32 $0x1C800  }
0x55b: {  	[hbm4b:s9+s4] =	stream.indirect_vreg.scatter [tilespmem:s29], [sflag:$0x4], $0x80, v3, vm0, $0xb8;
	[tilespmem:$0x1D000] =	vst v63  }
0x55c: {  	v3 =	vld [tilespmem:s14+$0x380];
	_ =	sdelay $0x4  }
0x55d: {  	v59 =	vshrl.u32 v3, $0x3  }
0x55e: {  	v4 =	vmul.u32 $0x30, v59  }
0x55f: {  	v3 =	vand.u32 $0x7, v3  }
0x560: {  	v3 =	vor.u32 v3, v4  }
0x561: {  	v4 =	vperm.xlane v3, v0;
	_ =	sdelay $0x1  }
0x562: {  	v4 =	vadd.s32 v1, v4;
	_ =	sdelay $0x3  }
0x563: {  	s18 =	simm.s32 $0xF800;
	v3 =	vperm.xlane v3, v2  }
0x564: {  	[hbm4b:s3+s4] =	stream.indirect_vreg.scatter [tilespmem:s18], [sflag:$0x4], $0x80, v4, vm0, $0xb8;
	[tilespmem:$0x1D000] =	vst v63  }
0x565: {  	s6 =	simm.s32 $0x10000;
	v3 =	vadd.s32 v1, v3  }
0x566: {  	[hbm4b:s8+s4] =	stream.indirect_vreg.scatter [tilespmem:s6], [sflag:$0x4], $0x80, v4, vm0, $0xb8;
	[tilespmem:$0x1D000] =	vst v63  }
0x567: {  	s21 =	simm.s32 $0x10800  }
0x568: {  	[hbm4b:s9+s4] =	stream.indirect_vreg.scatter [tilespmem:s21], [sflag:$0x4], $0x80, v4, vm0, $0xb8;
	[tilespmem:$0x1D000] =	vst v63  }
0x569: {  	s21 =	simm.s32 $0x11000  }
0x56a: {  	[hbm4b:s3+s4] =	stream.indirect_vreg.scatter [tilespmem:s21], [sflag:$0x4], $0x80, v3, vm0, $0xb8;
	[tilespmem:$0x1D000] =	vst v63  }
0x56b: {  	s20 =	simm.s32 $0x11800  }
0x56c: {  	[hbm4b:s8+s4] =	stream.indirect_vreg.scatter [tilespmem:s20], [sflag:$0x4], $0x80, v3, vm0, $0xb8;
	[tilespmem:$0x1D000] =	vst v63  }
0x56d: {  	s25 =	simm.s32 $0x12000  }
0x56e: {  	[hbm4b:s9+s4] =	stream.indirect_vreg.scatter [tilespmem:s25], [sflag:$0x4], $0x80, v3, vm0, $0xb8;
	[tilespmem:$0x1D000] =	vst v63  }
0x56f: {  	v3 =	vld [tilespmem:s14+$0x390];
	_ =	sdelay $0x4  }
0x570: {  	v60 =	vshrl.u32 v3, $0x3  }
0x571: {  	v4 =	vmul.u32 $0x30, v60  }
0x572: {  	v3 =	vand.u32 $0x7, v3  }
0x573: {  	v3 =	vor.u32 v3, v4  }
0x574: {  	v4 =	vperm.xlane v3, v0;
	_ =	sdelay $0x1  }
0x575: {  	v4 =	vadd.s32 v1, v4;
	_ =	sdelay $0x3  }
0x576: {  	s19 =	simm.s32 $0x12800;
	v3 =	vperm.xlane v3, v2  }
0x577: {  	[hbm4b:s3+s4] =	stream.indirect_vreg.scatter [tilespmem:s19], [sflag:$0x4], $0x80, v4, vm0, $0xb8;
	[tilespmem:$0x1D000] =	vst v63  }
0x578: {  	s28 =	simm.s32 $0x13000;
	v3 =	vadd.s32 v1, v3  }
0x579: {  	[hbm4b:s8+s4] =	stream.indirect_vreg.scatter [tilespmem:s28], [sflag:$0x4], $0x80, v4, vm0, $0xb8;
	[tilespmem:$0x1D000] =	vst v63  }
0x57a: {  	s2 =	simm.s32 $0x13800  }
0x57b: {  	[hbm4b:s9+s4] =	stream.indirect_vreg.scatter [tilespmem:s2], [sflag:$0x4], $0x80, v4, vm0, $0xb8;
	[tilespmem:$0x1D000] =	vst v63  }
0x57c: {  	s26 =	simm.s32 $0x14000  }
0x57d: {  	[hbm4b:s3+s4] =	stream.indirect_vreg.scatter [tilespmem:s26], [sflag:$0x4], $0x80, v3, vm0, $0xb8;
	[tilespmem:$0x1D000] =	vst v63  }
0x57e: {  	s7 =	simm.s32 $0x14800  }
0x57f: {  	[hbm4b:s8+s4] =	stream.indirect_vreg.scatter [tilespmem:s7], [sflag:$0x4], $0x80, v3, vm0, $0xb8;
	[tilespmem:$0x1D000] =	vst v63  }
0x580: {  	s10 =	simm.s32 $0x15000  }
0x581: {  	[hbm4b:s9+s4] =	stream.indirect_vreg.scatter [tilespmem:s10], [sflag:$0x4], $0x80, v3, vm0, $0xb8;
	[tilespmem:$0x1D000] =	vst v63  }
0x582: {  	v3 =	vld [tilespmem:s14+$0x3A0];
	_ =	sdelay $0x4  }
0x583: {  	v61 =	vshrl.u32 v3, $0x3  }
0x584: {  	v4 =	vmul.u32 $0x30, v61  }
0x585: {  	v3 =	vand.u32 $0x7, v3  }
0x586: {  	v3 =	vor.u32 v3, v4  }
0x587: {  	v4 =	vperm.xlane v3, v0;
	_ =	sdelay $0x1  }
0x588: {  	v4 =	vadd.s32 v1, v4;
	_ =	sdelay $0x3  }
0x589: {  	s11 =	simm.s32 $0x15800;
	v3 =	vperm.xlane v3, v2  }
0x58a: {  	[hbm4b:s3+s4] =	stream.indirect_vreg.scatter [tilespmem:s11], [sflag:$0x4], $0x80, v4, vm0, $0xb8;
	[tilespmem:$0x1D000] =	vst v63  }
0x58b: {  	s12 =	simm.s32 $0x16000;
	v3 =	vadd.s32 v1, v3  }
0x58c: {  	[hbm4b:s8+s4] =	stream.indirect_vreg.scatter [tilespmem:s12], [sflag:$0x4], $0x80, v4, vm0, $0xb8;
	[tilespmem:$0x1D000] =	vst v63  }
0x58d: {  	s13 =	simm.s32 $0x16800  }
0x58e: {  	[hbm4b:s9+s4] =	stream.indirect_vreg.scatter [tilespmem:s13], [sflag:$0x4], $0x80, v4, vm0, $0xb8;
	[tilespmem:$0x1D000] =	vst v63  }
0x58f: {  	s16 =	simm.s32 $0x17000  }
0x590: {  	[hbm4b:s3+s4] =	stream.indirect_vreg.scatter [tilespmem:s16], [sflag:$0x4], $0x80, v3, vm0, $0xb8;
	[tilespmem:$0x1D000] =	vst v63  }
0x591: {  	s23 =	simm.s32 $0x17800  }
0x592: {  	[hbm4b:s8+s4] =	stream.indirect_vreg.scatter [tilespmem:s23], [sflag:$0x4], $0x80, v3, vm0, $0xb8;
	[tilespmem:$0x1D000] =	vst v63  }
0x593: {  	s30 =	simm.s32 $0x18000  }
0x594: {  	[hbm4b:s9+s4] =	stream.indirect_vreg.scatter [tilespmem:s30], [sflag:$0x4], $0x80, v3, vm0, $0xb8;
	[tilespmem:$0x1D000] =	vst v63  }
0x595: {  	v3 =	vld [tilespmem:s14+$0x3B0];
	_ =	sdelay $0x4  }
0x596: {  	v62 =	vshrl.u32 v3, $0x3  }
0x597: {  	v4 =	vmul.u32 $0x30, v62  }
0x598: {  	v3 =	vand.u32 $0x7, v3  }
0x599: {  	v3 =	vor.u32 v3, v4  }
0x59a: {  	v4 =	vperm.xlane v3, v0;
	_ =	sdelay $0x1  }
0x59b: {  	v4 =	vadd.s32 v1, v4;
	_ =	sdelay $0x3  }
0x59c: {  	s15 =	simm.s32 $0x18800;
	v3 =	vperm.xlane v3, v2  }
0x59d: {  	[hbm4b:s3+s4] =	stream.indirect_vreg.scatter [tilespmem:s15], [sflag:$0x4], $0x80, v4, vm0, $0xb8;
	[tilespmem:$0x1D000] =	vst v63  }
0x59e: {  	s1 =	simm.s32 $0x19000;
	v3 =	vadd.s32 v1, v3  }
0x59f: {  	[hbm4b:s8+s4] =	stream.indirect_vreg.scatter [tilespmem:s1], [sflag:$0x4], $0x80, v4, vm0, $0xb8;
	[tilespmem:$0x1D000] =	vst v63  }
0x5a0: {  	s0 =	simm.s32 $0x19800  }
0x5a1: {  	[hbm4b:s9+s4] =	stream.indirect_vreg.scatter [tilespmem:s0], [sflag:$0x4], $0x80, v4, vm0, $0xb8;
	[tilespmem:$0x1D000] =	vst v63  }
0x5a2: {  	s5 =	simm.s32 $0x1A000  }
0x5a3: {  	[hbm4b:s3+s4] =	stream.indirect_vreg.scatter [tilespmem:s5], [sflag:$0x4], $0x80, v3, vm0, $0xb8;
	[tilespmem:$0x1D000] =	vst v63  }
0x5a4: {  	s17 =	simm.s32 $0x1A800  }
0x5a5: {  	[hbm4b:s8+s4] =	stream.indirect_vreg.scatter [tilespmem:s17], [sflag:$0x4], $0x80, v3, vm0, $0xb8;
	[tilespmem:$0x1D000] =	vst v63  }
0x5a6: {  	s24 =	simm.s32 $0x1B000  }
0x5a7: {  	[hbm4b:s9+s4] =	stream.indirect_vreg.scatter [tilespmem:s24], [sflag:$0x4], $0x80, v3, vm0, $0xb8;
	[tilespmem:$0x1D000] =	vst v63  }
0x5a8: {  	v3 =	vld.msk [tilespmem:s14+$0x3C0], $0xff;
	_ =	sdelay $0x4  }
0x5a9: {  	v63 =	vshrl.u32 v3, $0x3  }
0x5aa: {  	v4 =	vmul.u32 $0x30, v63  }
0x5ab: {  	v3 =	vand.u32 $0x7, v3  }
0x5ac: {  	v3 =	vor.u32 v3, v4  }
0x5ad: {  	v3 =	vperm.xlane v3, v0;
	_ =	sdelay $0x1  }
0x5ae: {  	v3 =	vadd.s32 v1, v3;
	_ =	sdelay $0x3  }
0x5af: {  	s31 =	simm.s32 $0x1B800  }
0x5b0: {  	[hbm4b:s3+s4] =	stream.indirect_vreg.scatter [tilespmem:s31], [sflag:$0x4], $0x80, v3, vm0, $0xb8;
	[tilespmem:$0x1D000] =	vst v63  }
0x5b1: {  	s22 =	simm.s32 $0x1C000  }
0x5b2: {  	[hbm4b:s8+s4] =	stream.indirect_vreg.scatter [tilespmem:s22], [sflag:$0x4], $0x80, v3, vm0, $0xb8;
	[tilespmem:$0x1D000] =	vst v63  }
0x5b3: {  	s29 =	simm.s32 $0x1C800;
	s30 =	simm.s32 $0x3  }
0x5b4: {  	[hbm4b:s9+s4] =	stream.indirect_vreg.scatter [tilespmem:s29], [sflag:$0x4], $0x80, v3, vm0, $0xb8;
	[tilespmem:$0x1D000] =	vst v63  }
0x5b5: {  	_ =	swait.ge [sflag:s30], $0xD800  }
0x5b6: {  	[sflag:s30] =	ssyncset.done $0x0  }
0x5b7: {  	[sflag:s30] =	ssyncadd.s32 $0xFFFF2800  }
0x5b8: {  	_ =	swait.ge [sflag:s30], $0xD800  }
0x5b9: {  	[sflag:s30] =	ssyncset.done $0x0  }
0x5ba: {  	[sflag:s30] =	ssyncadd.s32 $0xFFFF2800  }
0x5bb: {  	_ =	swait.ge [sflag:s30], $0xD800  }
0x5bc: {  	[sflag:s30] =	ssyncset.done $0x0  }
0x5bd: {  	[sflag:s30] =	ssyncadd.s32 $0xFFFF2800  }
0x5be: {  	_ =	swait.ge [sflag:s30], $0xD800  }
0x5bf: {  	[sflag:s30] =	ssyncset.done $0x0  }
0x5c0: {  	[sflag:s30] =	ssyncadd.s32 $0xFFFF2800  }
0x5c1: {  	_ =	swait.ge [sflag:s30], $0xD800  }
0x5c2: {  	[sflag:s30] =	ssyncset.done $0x0  }
0x5c3: {  	[sflag:s30] =	ssyncadd.s32 $0xFFFF2800  }
0x5c4: {  	_ =	swait.ge [sflag:s30], $0xD800  }
0x5c5: {  	[sflag:s30] =	ssyncset.done $0x0  }
0x5c6: {  	[sflag:s30] =	ssyncadd.s32 $0xFFFF2800  }
0x5c7: {  	_ =	swait.ge [sflag:s30], $0xD800  }
0x5c8: {  	[sflag:s30] =	ssyncset.done $0x0;
	s1 =	rddreg [dreg:$0xb]  }
0x5c9: {  	s21 =	rddreg [dreg:$0x9];
	p0 =	seq.s32 s1, $0x1B0;
	[sflag:s30] =	ssyncadd.s32 $0xFFFF2800  }
0x5ca: {  	s21 =	sadd.s32 @!p0 s1, s21;
	_ =	swait.ge [sflag:s30], $0xD800  }
0x5cb: {  	s21 =	sshrl.u32 @!p0 s21, $0x3;
	[sflag:s30] =	ssyncset.done $0x0  }
0x5cc: {  	s21 =	smul.u32 @!p0 $0x300, s21;
	[sflag:s30] =	ssyncadd.s32 $0xFFFF2800  }
0x5cd: {  	s31 =	simm.s32 $0x4;
	s22 =	rddreg [dreg:$0x0]  }
0x5ce: {  	s23 =	simm.s32 @!p0 $0x2000;
	s21 =	sadd.s32 @!p0 s22, s21;
	s22 =	simm.s32 @!p0 $0x0  }
0x5cf: {  	[tilespmem:s23], [sflag:$0x1] =	stream.linear.gather @!p0 [hbm4b:s21+s22], $0xD800, $0x38;
	[tilespmem:$0x1D000] =	vst v63  }
0x5d0: {  	_ =	swait.ge [sflag:s31], $0xD800  }
0x5d1: {  	[sflag:s31] =	ssyncset.done $0x0  }
0x5d2: {  	[sflag:s31] =	ssyncadd.s32 $0xFFFF2800  }
0x5d3: {  	_ =	swait.ge [sflag:s31], $0xD800  }
0x5d4: {  	[sflag:s31] =	ssyncset.done $0x0  }
0x5d5: {  	[sflag:s31] =	ssyncadd.s32 $0xFFFF2800  }
0x5d6: {  	_ =	swait.ge [sflag:s31], $0xD800  }
0x5d7: {  	[sflag:s31] =	ssyncset.done $0x0  }
0x5d8: {  	[sflag:s31] =	ssyncadd.s32 $0xFFFF2800  }
0x5d9: {  	_ =	swait.ge [sflag:s31], $0xD800  }
0x5da: {  	[sflag:s31] =	ssyncset.done $0x0  }
0x5db: {  	[sflag:s31] =	ssyncadd.s32 $0xFFFF2800  }
0x5dc: {  	_ =	swait.ge [sflag:s31], $0xD800  }
0x5dd: {  	[sflag:s31] =	ssyncset.done $0x0  }
0x5de: {  	[sflag:s31] =	ssyncadd.s32 $0xFFFF2800  }
0x5df: {  	_ =	swait.ge [sflag:s31], $0xD800  }
0x5e0: {  	[sflag:s31] =	ssyncset.done $0x0  }
0x5e1: {  	[sflag:s31] =	ssyncadd.s32 $0xFFFF2800  }
0x5e2: {  	_ =	swait.ge [sflag:s31], $0xD800  }
.Ltmp2:
0x5e3: {  	[sflag:s31] =	ssyncset.done $0x0;
	(pc) =	sbr.rel @p0 .LBB2_4-.Ltmp2, $4  }
0x5e4: {  	[sflag:s31] =	ssyncadd.s32 $0xFFFF2800  }
0x5e5: {  	_ =	swait.ge [sflag:s31], $0xD800  }
0x5e6: {  	[sflag:s31] =	ssyncset.done $0x0  }
0x5e7: {  	s0 =	simm.s32 $0xF800;
	[sflag:s31] =	ssyncadd.s32 $0xFFFF2800  }
.Ltmp3:
0x5e8: {  	(pc) =	sbr.rel .LBB2_2-.Ltmp3, $4  }
0x5e9: {  	s2 =	rddreg [dreg:$0xc];
	s1 =	sadd.s32 $0x90, s1  }
0x5ea: {  	[tilespmem:s0], [sflag:$0x2] =	stream.linear.gather [hbm4b:s2+s4], $0xD800, $0x38;
	[tilespmem:$0x1D000] =	vst v63  }
0x5eb: {  	s2 =	sadd.s32 $0x3600, s2;
	[dreg:$0xb] =	wrdreg s1  }
0x5ec: {  	s14 =	sadd.s32 $0x800, s14;
	[dreg:$0xc] =	wrdreg s2  }
.LBB2_5:
0x5ed: {  	_ =	sfence.sel $0x180000  }
0x5ee: {  	[bflag:$0x0] =	sbarrier.arrive $0xFFFF  }
0x5ef: {  	_ =	strace $0x90000047  }
0x5f0: {  	s0 =	stileid.u32;
	[bflag:$0x2] =	sbarrier.arrive $0xFFFF  }
0x5f1: {  	p0 =	sne.s32 s0, $0x0;
	s0 =	rddreg [dreg:$0x3]  }
0x5f2: {  	s0 =	sadd.s32 @!p0 $0x100000, s0  }
0x5f3: {  	[sflag:s0] =	ssyncadd.tile.s32 @!p0 $0x1;
	_ =	shalt  }
.Lfunc_end2:
_tile_overlayer_lowered:
.L_overlay_start_2:
0x5f4: {  	(tag) =	ssettag $0x2  }
0x5f5: {  	s0 =	rddreg [dreg:$0x0];
	s2 =	stileid.u32  }
0x5f6: {  	s1 =	rddreg [dreg:$0x1];
	p0 =	sne.s32 s2, $0x0  }
0x5f7: {  	s3 =	rddreg [dreg:$0x2];
	[bflag:$0x3] =	sbarrier.arrive $0xFFFF;
	s2 =	simm.s32 @!p0 $0x1C05  }
0x5f8: {  	[timem:s3], [sflag:s2] =	dma.local @!p0 [hbm:s0], s1  }
0x5f9: {  	s0 =	simm.s32 @!p0 $0x5  }
0x5fa: {  	_ =	swait.ge @!p0 [sflag:s0], s1  }
0x5fb: {  	s1 =	ssub.s32 @!p0 $0x0, s1;
	[sflag:s0] =	ssyncset.done @!p0 $0x0  }
0x5fc: {  	[sflag:s0] =	ssyncadd.s32 @!p0 s1  }
0x5fd: {  	[bflag:$0x3] =	sbarrier.arrive $0xFFFF  }
0x5fe: {  	_ =	shalt  }

</sc_bundles>
